<compile_context>
chip_gen: v7x
topology: tpu7x:2x2x1
jax: 0.10.2.dev20260603
libtpu: 0.0.44.dev20260713+nightly
codegen_flags: <defaults>
</compile_context>

<pallas_src>
import functools

import numpy as np
import jax
import jax.numpy as jnp
from jax import lax
from jax.experimental import pallas as pl
from jax.experimental.pallas import tpu as pltpu
from jax.experimental.pallas import tpu_sc as plsc

N = 4096
D = 256
E = 131072
K = 50

RB = 256
GRID = N // RB
BISECT_ITERS = 32

_M31 = np.int32(0x7FFFFFFF)


def _skey_host(x):
    b = np.float32(x).view(np.int32)
    return int(b ^ ((b >> 31) & 0x7FFFFFFF))


_LO0 = _skey_host(-2.0)
_HI0 = _skey_host(2.0)


EPT = E // 16
WROWS = 256
NPASS = (N // 2) // WROWS
WELEMS = WROWS * N
HALF = N // 2


def _adj_sc_kernel(src_hbm, dst_hbm, adj_hbm, deg_hbm,
                   src_v, dst_v, f_v, vals_v, idx_v, zbuf_v, win_sh, deg_sh):
    c = lax.axis_index("c")
    s = lax.axis_index("s")
    lane = jnp.arange(16, dtype=jnp.int32)

    base = s * EPT
    pltpu.sync_copy(src_hbm.at[pl.ds(base, EPT)], src_v)
    pltpu.sync_copy(dst_hbm.at[pl.ds(base, EPT)], dst_v)

    def zb(i, _):
        zbuf_v[pl.ds(i * 16, 16)] = jnp.zeros((16,), jnp.float32)
        return 0
    lax.fori_loop(0, zbuf_v.shape[0] // 16, zb, 0)

    def pf(i, _):
        sv = src_v[pl.ds(i * 16, 16)]
        dv = dst_v[pl.ds(i * 16, 16)]
        f_v[pl.ds(i * 16, 16)] = sv * N + dv
        return 0
    lax.fori_loop(0, EPT // 16, pf, 0)

    pltpu.sync_copy(zbuf_v.at[pl.ds(0, 128)], deg_sh.at[pl.ds(s * 128, 128)])
    plsc.subcore_barrier()

    dlo = c * HALF

    def dbody(i, _):
        sv = src_v[pl.ds(i * 16, 16)]
        rel = sv - dlo
        m = (rel >= 0) & (rel < HALF)
        dump = (s * EPT + i * 16 + lane) & (HALF - 1)
        idx_v[pl.ds(i * 16, 16)] = jnp.where(m, rel, dump)
        vals_v[pl.ds(i * 16, 16)] = jnp.where(m, 1.0, 0.0)
        return 0
    lax.fori_loop(0, EPT // 16, dbody, 0)
    pltpu.sync_copy(vals_v, deg_sh.at[idx_v], add=True)
    plsc.subcore_barrier()

    @pl.when(s == 0)
    def _():
        pltpu.sync_copy(deg_sh, deg_hbm.at[pl.ds(c * HALF, HALF)])

    def one_pass(p, _):
        row_lo = c * HALF + p * WROWS
        flat_lo = row_lo * N

        def zw(k, _):
            pltpu.sync_copy(
                zbuf_v,
                win_sh.at[pl.ds(s * (WELEMS // 16) + k * zbuf_v.shape[0],
                                zbuf_v.shape[0])])
            return 0
        lax.fori_loop(0, (WELEMS // 16) // zbuf_v.shape[0], zw, 0)
        plsc.subcore_barrier()

        def ebody(i, _):
            fv = f_v[pl.ds(i * 16, 16)]
            rel = fv - flat_lo
            m = (rel >= 0) & (rel < WELEMS)
            dump = ((s * EPT + i * 16 + lane) * 4) & (WELEMS - 1)
            idx_v[pl.ds(i * 16, 16)] = jnp.where(m, rel, dump)
            vals_v[pl.ds(i * 16, 16)] = jnp.where(m, 1.0, 0.0)
            return 0
        lax.fori_loop(0, EPT // 16, ebody, 0)
        pltpu.sync_copy(vals_v, win_sh.at[idx_v], add=True)
        plsc.subcore_barrier()

        pltpu.sync_copy(
            win_sh.at[pl.ds(s * (WELEMS // 16), WELEMS // 16)],
            adj_hbm.at[pl.ds(flat_lo + s * (WELEMS // 16), WELEMS // 16)])
        plsc.subcore_barrier()
        return 0

    lax.fori_loop(0, NPASS, one_pass, 0)


def _adj_sc(src, dst):
    mesh = plsc.VectorSubcoreMesh(core_axis_name="c", subcore_axis_name="s")
    kfn = functools.partial(
        pl.kernel, mesh=mesh,
        out_type=[
            jax.ShapeDtypeStruct((N * N,), jnp.float32),
            jax.ShapeDtypeStruct((N,), jnp.float32),
        ],
        scratch_types=[
            pltpu.VMEM((EPT,), jnp.int32),
            pltpu.VMEM((EPT,), jnp.int32),
            pltpu.VMEM((EPT,), jnp.int32),
            pltpu.VMEM((EPT,), jnp.float32),
            pltpu.VMEM((EPT,), jnp.int32),
            pltpu.VMEM((16384,), jnp.float32),
            pltpu.VMEM_SHARED((WELEMS,), jnp.float32),
            pltpu.VMEM_SHARED((HALF,), jnp.float32),
        ],
    )(_adj_sc_kernel)
    adj_flat, deg = kfn(src, dst)
    return adj_flat.reshape(N, N), deg.reshape(N, 1)


def _dinv_vec_kernel(deg_ref, dinv_ref):
    deg = deg_ref[...]
    dinv_ref[...] = jnp.where(deg > 0, jax.lax.rsqrt(jnp.maximum(deg, 1e-12)), 0.0)


def _dinv_vec(deg):
    return pl.pallas_call(
        _dinv_vec_kernel,
        out_shape=jax.ShapeDtypeStruct((N, 1), jnp.float32),
    )(deg)


def _prop_kernel(a_ref, x_ref, w_ref, dvr_ref, dvc_ref, o_ref, y_ref,
                 *, relu, rownorm):
    @pl.when(pl.program_id(0) == 0)
    def _():
        y_ref[...] = jnp.dot(x_ref[...], w_ref[...],
                             preferred_element_type=jnp.float32)

    an = (dvr_ref[...] * a_ref[...]) * dvc_ref[...]
    o = jnp.dot(an, y_ref[...], preferred_element_type=jnp.float32)
    if relu:
        o = jnp.maximum(o, 0.0)
    if rownorm:
        nrm = jnp.sqrt(jnp.sum(o * o, axis=1, keepdims=True))
        o = o / jnp.maximum(nrm, 1e-12)
    o_ref[...] = o


def _propagate(adj, x, w, dinv, relu=False, rownorm=False):
    h = w.shape[1]
    dinv_row = jnp.reshape(dinv, (1, N))
    return pl.pallas_call(
        functools.partial(_prop_kernel, relu=relu, rownorm=rownorm),
        out_shape=jax.ShapeDtypeStruct((N, h), jnp.float32),
        grid=(GRID,),
        in_specs=[
            pl.BlockSpec((RB, N), lambda i: (i, 0)),
            pl.BlockSpec((N, x.shape[1]), lambda i: (0, 0)),
            pl.BlockSpec((x.shape[1], h), lambda i: (0, 0)),
            pl.BlockSpec((RB, 1), lambda i: (i, 0)),
            pl.BlockSpec((1, N), lambda i: (0, 0)),
        ],
        out_specs=pl.BlockSpec((RB, h), lambda i: (i, 0)),
        scratch_shapes=[pltpu.VMEM((N, h), jnp.float32)],
    )(adj, x, w, dinv, dinv_row)


def _simthresh_kernel(eb_ref, e_ref, m_ref, rsum_ref, csum_ref, s_ref):
    d2 = D // 2
    s = (jax.lax.dot_general(eb_ref[:, :d2], e_ref[:, :d2], (((1,), (1,)), ((), ())),
                             preferred_element_type=jnp.float32)
         + jax.lax.dot_general(eb_ref[:, d2:], e_ref[:, d2:], (((1,), (1,)), ((), ())),
                               preferred_element_type=jnp.float32))
    s_ref[...] = s

    lo0 = jnp.full((RB, 1), _LO0, jnp.int32)
    hi0 = jnp.full((RB, 1), _HI0, jnp.int32)

    def body(_, carry):
        lo, hi = carry
        mid = (lo >> 1) + (hi >> 1) + (lo & hi & 1)
        t_bits = mid ^ ((mid >> 31) & _M31)
        t = jax.lax.bitcast_convert_type(t_bits, jnp.float32)
        cnt = jnp.sum(jnp.where(s_ref[...] > t, 1, 0), axis=1, keepdims=True)
        ge = cnt >= K
        return (jnp.where(ge, mid, lo), jnp.where(ge, hi, mid))

    lo, hi = jax.lax.fori_loop(0, BISECT_ITERS, body, (lo0, hi0))
    v_bits = hi ^ ((hi >> 31) & _M31)
    v50 = jax.lax.bitcast_convert_type(v_bits, jnp.float32)

    s = s_ref[...]
    m = jnp.where(s >= v50, s, 0.0)
    m_ref[...] = m
    rsum_ref[...] = jnp.sum(m, axis=1, keepdims=True)
    csum_ref[...] = jnp.sum(m, axis=0, keepdims=True)[None]


def _sim_thresh(emb):
    return pl.pallas_call(
        _simthresh_kernel,
        out_shape=(
            jax.ShapeDtypeStruct((N, N), jnp.float32),
            jax.ShapeDtypeStruct((N, 1), jnp.float32),
            jax.ShapeDtypeStruct((GRID, 1, N), jnp.float32),
        ),
        grid=(GRID,),
        in_specs=[
            pl.BlockSpec((RB, D), lambda i: (i, 0)),
            pl.BlockSpec((N, D), lambda i: (0, 0)),
        ],
        out_specs=(
            pl.BlockSpec((RB, N), lambda i: (i, 0)),
            pl.BlockSpec((RB, 1), lambda i: (i, 0)),
            pl.BlockSpec((1, 1, N), lambda i: (i, 0, 0)),
        ),
        scratch_shapes=[pltpu.VMEM((RB, N), jnp.float32)],
    )(emb, emb)


def _rsden_kernel(q_ref, rsum_ref, csum_ref, ones_ref, den_ref):
    cs = jnp.sum(csum_ref[...], axis=0)
    cs_t = jax.lax.dot_general(cs, ones_ref[...], (((0,), (0,)), ((), ())),
                               precision=jax.lax.Precision.HIGHEST,
                               preferred_element_type=jnp.float32)
    rs = 0.5 * q_ref[...] * (rsum_ref[...] + cs_t)
    den_ref[...] = jnp.where(jnp.abs(rs) > 1e-12, rs, 1.0)


def _rsden(Q, rowsumv, csum_part):
    ones = jnp.ones((1, 1), jnp.float32)
    return pl.pallas_call(
        _rsden_kernel,
        out_shape=jax.ShapeDtypeStruct((N, 1), jnp.float32),
    )(Q, rowsumv, csum_part, ones)


def _asm_kernel(m_ref, mt_ref, adj_ref, q_ref, den_ref, an_ref, af_ref,
                dvf_ref, acc_ref):
    j = pl.program_id(1)
    sym = 0.5 * (m_ref[...] + jnp.swapaxes(mt_ref[...], 0, 1))
    s = sym * q_ref[...]
    an = s / den_ref[...]
    af = an + adj_ref[...]
    an_ref[...] = an
    af_ref[...] = af

    @pl.when(j == 0)
    def _():
        acc_ref[...] = jnp.zeros((RB, 1), jnp.float32)

    acc_ref[...] = acc_ref[...] + jnp.sum(af, axis=1, keepdims=True)

    @pl.when(j == GRID - 1)
    def _():
        deg = acc_ref[...]
        dvf_ref[...] = jnp.where(deg > 0, jax.lax.rsqrt(jnp.maximum(deg, 1e-12)), 0.0)


def _assemble(Mmat, adj, Q, den):
    return pl.pallas_call(
        _asm_kernel,
        out_shape=(
            jax.ShapeDtypeStruct((N, N), jnp.float32),
            jax.ShapeDtypeStruct((N, N), jnp.float32),
            jax.ShapeDtypeStruct((N, 1), jnp.float32),
        ),
        grid=(GRID, GRID),
        in_specs=[
            pl.BlockSpec((RB, RB), lambda i, j: (i, j)),
            pl.BlockSpec((RB, RB), lambda i, j: (j, i)),
            pl.BlockSpec((RB, RB), lambda i, j: (i, j)),
            pl.BlockSpec((RB, 1), lambda i, j: (i, 0)),
            pl.BlockSpec((RB, 1), lambda i, j: (i, 0)),
        ],
        out_specs=(
            pl.BlockSpec((RB, RB), lambda i, j: (i, j)),
            pl.BlockSpec((RB, RB), lambda i, j: (i, j)),
            pl.BlockSpec((RB, 1), lambda i, j: (i, 0)),
        ),
        scratch_shapes=[pltpu.VMEM((RB, 1), jnp.float32)],
    )(Mmat, Mmat, adj, Q, den)


def _assemble_call(Mmat, adj, Q, den):
    an, af, dvf = _assemble(Mmat, adj, Q, den)
    return an, af, dvf


def kernel(input, Adj_edge_index, Q, Wg1, Wg2, Wt1, Wt2):
    x = input
    src = Adj_edge_index[0].astype(jnp.int32)
    dst = Adj_edge_index[1].astype(jnp.int32)

    adj, deg = _adj_sc(src, dst)
    dinv = _dinv_vec(deg)

    h = _propagate(adj, x, Wg1, dinv, relu=True)
    emb = _propagate(adj, h, Wg2, dinv, rownorm=True)

    Mmat, rowsumv, csum_part = _sim_thresh(emb)
    den = _rsden(Q, rowsumv, csum_part)

    adj_new, adj_final, dinvf = _assemble_call(Mmat, adj, Q, den)

    z1 = _propagate(adj_final, x, Wt1, dinvf, relu=True)
    z = _propagate(adj_final, z1, Wt2, dinvf)

    return (z, adj_new, adj_final)

# --- scband reference (transcript-rebuilt; emitter-appended) ---
"""Pipeline reference for scband-grcn-60181081751741 (READ-ONLY COPY).

The authoritative reference and input builder live on the scoring server;
editing this copy changes nothing except your own understanding.
"""

import jax, jax.numpy as jnp
import numpy as np

N = 4096
D = 256
E = 131072
K = 50
H_GSL = 128
H_TASK = 128
N_CLASS = 64


def _norm_a(A):
    # Normalize(add_loop=False): D^-1/2 A D^-1/2
    deg = A.sum(axis=1)
    dinv = jnp.where(deg > 0, jax.lax.rsqrt(jnp.maximum(deg, 1e-12)), 0.0)
    return dinv[:, None] * A * dinv[None, :]


def setup_inputs(seed: int = 0) -> dict:
    key = jax.random.key(seed)
    ks = [jax.random.fold_in(key, i) for i in range(8)]
    inp = {}
    inp['input'] = jax.random.normal(ks[0], (N, D), dtype=jnp.float32)
    inp['Adj_edge_index'] = jax.random.randint(ks[1], (2, E), 0, N, dtype=jnp.int64)
    inp['Q'] = jax.random.uniform(ks[2], (N, 1), dtype=jnp.float32)
    # graph-learner GCN: n_feat -> n_hidden_2 -> n_hidden_1 (= n_feat, required for half-split similarity)
    inp['Wg1'] = jax.random.normal(ks[3], (D, H_GSL), dtype=jnp.float32) * (1.0 / np.sqrt(D))
    inp['Wg2'] = jax.random.normal(ks[4], (H_GSL, D), dtype=jnp.float32) * (1.0 / np.sqrt(H_GSL))
    # task GCN: n_feat -> n_hidden -> n_class
    inp['Wt1'] = jax.random.normal(ks[5], (D, H_TASK), dtype=jnp.float32) * (1.0 / np.sqrt(D))
    inp['Wt2'] = jax.random.normal(ks[6], (H_TASK, N_CLASS), dtype=jnp.float32) * (1.0 / np.sqrt(H_TASK))
    return inp


def reference(input, Adj_edge_index, Q, Wg1, Wg2, Wt1, Wt2):
    x = input
    src = Adj_edge_index[0]
    dst = Adj_edge_index[1]
    # dense adjacency built by scatter-add (SparseCore scatter)
    adj = jnp.zeros((N, N), dtype=jnp.float32).at[src, dst].add(1.0)
    adj_n = _norm_a(adj)

    # _node_embeddings: 2-layer GCN graph learner (dropout=0 / eval mode)
    h = adj_n @ (x @ Wg1)
    h = jax.nn.relu(h)
    h = adj_n @ (h @ Wg2)
    # normalize_e: row-norm p=2
    emb = h / jnp.maximum(jnp.linalg.norm(h, axis=1, keepdims=True), 1e-12)

    # cal_similarity_graph: inner product of first half + second half of features
    d2 = D // 2
    sim = emb[:, :d2] @ emb[:, :d2].T + emb[:, d2:] @ emb[:, d2:].T

    # KNN(K, sparse_out=True): keep top-K entries per row, zero elsewhere
    vals, idx = jax.lax.top_k(sim, K)
    rows = jnp.broadcast_to(jnp.arange(N)[:, None], (N, K))
    knn = jnp.zeros((N, N), dtype=jnp.float32).at[rows, idx].set(vals)

    # Symmetry(1)
    sym = 0.5 * (knn + knn.T)

    # gamma = 2 -> 1/(gamma-1) == 1 -> s_positive = adj_diff
    s = sym * Q  # per-node dual variable Q broadcast over rows
    # normalize(s, style='row')
    rs = s.sum(axis=1, keepdims=True)
    s = s / jnp.where(jnp.abs(rs) > 1e-12, rs, 1.0)
    Adj_new = s

    # original_graph=True: Interpolate(1,1) fuse, then symmetric normalization
    Adj_final = Adj_new + adj
    Afn = _norm_a(Adj_final)

    # conv_task: 2-layer GCN
    z = Afn @ (x @ Wt1)
    z = jax.nn.relu(z)
    z = Afn @ (z @ Wt2)
    return (z, Adj_new, Adj_final)

if __name__ == "__main__":
    import jax
    _d = setup_inputs()
    print(jax.jit(kernel)(*tuple(_d.values())))

</pallas_src>

<mosaic_0001>
#map = affine_map<(d0, d1) -> (0)>
module attributes {stable_mosaic.version = 14 : i64} {
  func.func @_adj_sc_kernel(%arg0: i32, %arg1: i32, %arg2: memref<131072xi32, #tpu.memory_space<hbm>>, %arg3: memref<131072xi32, #tpu.memory_space<hbm>>, %arg4: memref<16777216xf32, #tpu.memory_space<hbm>>, %arg5: memref<4096xf32, #tpu.memory_space<hbm>>, %arg6: memref<8192xi32, #tpu.memory_space<vmem>>, %arg7: memref<8192xi32, #tpu.memory_space<vmem>>, %arg8: memref<8192xi32, #tpu.memory_space<vmem>>, %arg9: memref<8192xf32, #tpu.memory_space<vmem>>, %arg10: memref<8192xi32, #tpu.memory_space<vmem>>, %arg11: memref<16384xf32, #tpu.memory_space<vmem>>, %arg12: memref<1048576xf32, #tpu.memory_space<vmem_shared>>, %arg13: memref<2048xf32, #tpu.memory_space<vmem_shared>>) attributes {dimension_semantics = [#tpu.dimension_semantics<core_parallel>, #tpu.dimension_semantics<subcore_parallel>], iteration_bounds = array<i64: 2, 16>, scalar_prefetch = 0 : i64, scratch_operands = 8 : i64, tpu.core_type = #tpu.core_type<sc_vector_subcore>, window_params = [{transform_indices = #map}, {transform_indices = #map}, {transform_indices = #map}, {transform_indices = #map}]} {
    %iota3A = tpu.iota {dimensions = array<i32: 0>} : vector<16xi32>
    %mul3A = arith.constant 8192 : i32
    %mul3A_0 = arith.muli %arg1, %mul3A : i32
    "tpu.region"() ({
      %run_scoped3A = tpu.sem_alloc : memref<!tpu.dma_semaphore, #tpu.memory_space<semaphore_mem>>
      %dma_start3A = tpu.memref_slice %arg2[%mul3A_0] : memref<131072xi32, #tpu.memory_space<hbm>> -> memref<8192xi32, #tpu.memory_space<hbm>>
      %dma_start3A_35 = tpu.memref_slice %arg2[%mul3A_0] : memref<131072xi32, #tpu.memory_space<hbm>> -> memref<8192xi32, #tpu.memory_space<hbm>>
      tpu.enqueue_dma source(%dma_start3A_35 : memref<8192xi32, #tpu.memory_space<hbm>>) target(%arg6 : memref<8192xi32, #tpu.memory_space<vmem>>) target_semaphore(%run_scoped3A : memref<!tpu.dma_semaphore, #tpu.memory_space<semaphore_mem>>)
      %dma_wait3A = tpu.memref_slice %arg2[%mul3A_0] : memref<131072xi32, #tpu.memory_space<hbm>> -> memref<8192xi32, #tpu.memory_space<hbm>>
      %dma_wait3A_36 = tpu.memref_slice %arg2[%mul3A_0] : memref<131072xi32, #tpu.memory_space<hbm>> -> memref<8192xi32, #tpu.memory_space<hbm>>
      tpu.wait_dma2 semaphore(%run_scoped3A : memref<!tpu.dma_semaphore, #tpu.memory_space<semaphore_mem>>) src(%dma_wait3A_36 : memref<8192xi32, #tpu.memory_space<hbm>>) dst(%arg6 : memref<8192xi32, #tpu.memory_space<vmem>>)
      tpu.yield
    }) : () -> ()
    "tpu.region"() ({
      %run_scoped3A = tpu.sem_alloc : memref<!tpu.dma_semaphore, #tpu.memory_space<semaphore_mem>>
      %dma_start3A = tpu.memref_slice %arg3[%mul3A_0] : memref<131072xi32, #tpu.memory_space<hbm>> -> memref<8192xi32, #tpu.memory_space<hbm>>
      %dma_start3A_35 = tpu.memref_slice %arg3[%mul3A_0] : memref<131072xi32, #tpu.memory_space<hbm>> -> memref<8192xi32, #tpu.memory_space<hbm>>
      tpu.enqueue_dma source(%dma_start3A_35 : memref<8192xi32, #tpu.memory_space<hbm>>) target(%arg7 : memref<8192xi32, #tpu.memory_space<vmem>>) target_semaphore(%run_scoped3A : memref<!tpu.dma_semaphore, #tpu.memory_space<semaphore_mem>>)
      %dma_wait3A = tpu.memref_slice %arg3[%mul3A_0] : memref<131072xi32, #tpu.memory_space<hbm>> -> memref<8192xi32, #tpu.memory_space<hbm>>
      %dma_wait3A_36 = tpu.memref_slice %arg3[%mul3A_0] : memref<131072xi32, #tpu.memory_space<hbm>> -> memref<8192xi32, #tpu.memory_space<hbm>>
      tpu.wait_dma2 semaphore(%run_scoped3A : memref<!tpu.dma_semaphore, #tpu.memory_space<semaphore_mem>>) src(%dma_wait3A_36 : memref<8192xi32, #tpu.memory_space<hbm>>) dst(%arg7 : memref<8192xi32, #tpu.memory_space<vmem>>)
      tpu.yield
    }) : () -> ()
    %scan3A = arith.constant 0 : i32
    %scan3A_1 = arith.constant 0 : i32
    %scan3A_2 = arith.constant 1024 : i32
    %scan3A_3 = arith.addi %scan3A_1, %scan3A_2 : i32
    %scan3A_4 = arith.constant 1 : i32
    %scan3A_5 = scf.for %scan3A_35 = %scan3A_1 to %scan3A_3 step %scan3A_4 iter_args(%scan3A_36 = %scan3A) -> (i32)  : i32 {
      %broadcast_in_dim3A = arith.constant 0.000000e+00 : f32
      %broadcast_in_dim3A_37 = vector.broadcast %broadcast_in_dim3A : f32 to vector<16xf32>
      %mul3A_38 = arith.constant 16 : i32
      %mul3A_39 = arith.muli %scan3A_35, %mul3A_38 : i32
      %swap3A = arith.index_cast %mul3A_39 : i32 to index
      %swap3A_40 = tpu.vector_load %arg11[%swap3A] {strides = array<i32>} : memref<16384xf32, #tpu.memory_space<vmem>>, vector<16xf32>,
      %swap3A_41 = vector.shape_cast %swap3A_40 : vector<16xf32> to vector<16xf32>
      %swap3A_42 = vector.shape_cast %broadcast_in_dim3A_37 : vector<16xf32> to vector<16xf32>
      tpu.vector_store %arg11[%swap3A], %swap3A_42 {strides = array<i32>} : memref<16384xf32, #tpu.memory_space<vmem>>, vector<16xf32>,
      %scan3A_43 = arith.constant 0 : i32
      scf.yield %scan3A_43 : i32
    }
    %scan3A_6 = arith.constant 1024 : i32
    %scan3A_7 = arith.constant 0 : i32
    %scan3A_8 = arith.constant 0 : i32
    %scan3A_9 = arith.constant 512 : i32
    %scan3A_10 = arith.addi %scan3A_8, %scan3A_9 : i32
    %scan3A_11 = arith.constant 1 : i32
    %scan3A_12 = scf.for %scan3A_35 = %scan3A_8 to %scan3A_10 step %scan3A_11 iter_args(%scan3A_36 = %scan3A_7) -> (i32)  : i32 {
      %mul3A_37 = arith.constant 16 : i32
      %mul3A_38 = arith.muli %scan3A_35, %mul3A_37 : i32
      %get3A = arith.index_cast %mul3A_38 : i32 to index
      %get3A_39 = tpu.vector_load %arg6[%get3A] {strides = array<i32>} : memref<8192xi32, #tpu.memory_space<vmem>>, vector<16xi32>,
      %get3A_40 = vector.shape_cast %get3A_39 : vector<16xi32> to vector<16xi32>
      %mul3A_41 = arith.constant 16 : i32
      %mul3A_42 = arith.muli %scan3A_35, %mul3A_41 : i32
      %get3A_43 = arith.index_cast %mul3A_42 : i32 to index
      %get3A_44 = tpu.vector_load %arg7[%get3A_43] {strides = array<i32>} : memref<8192xi32, #tpu.memory_space<vmem>>, vector<16xi32>,
      %get3A_45 = vector.shape_cast %get3A_44 : vector<16xi32> to vector<16xi32>
      %mul3A_46 = arith.constant 4096 : i32
      %mul3A_47 = vector.broadcast %mul3A_46 : i32 to vector<16xi32>
      %mul3A_48 = arith.muli %get3A_40, %mul3A_47 : vector<16xi32>
      %add3A = arith.addi %mul3A_48, %get3A_45 : vector<16xi32>
      %mul3A_49 = arith.constant 16 : i32
      %mul3A_50 = arith.muli %scan3A_35, %mul3A_49 : i32
      %swap3A = arith.index_cast %mul3A_50 : i32 to index
      %swap3A_51 = tpu.vector_load %arg8[%swap3A] {strides = array<i32>} : memref<8192xi32, #tpu.memory_space<vmem>>, vector<16xi32>,
      %swap3A_52 = vector.shape_cast %swap3A_51 : vector<16xi32> to vector<16xi32>
      %swap3A_53 = vector.shape_cast %add3A : vector<16xi32> to vector<16xi32>
      tpu.vector_store %arg8[%swap3A], %swap3A_53 {strides = array<i32>} : memref<8192xi32, #tpu.memory_space<vmem>>, vector<16xi32>,
      %scan3A_54 = arith.constant 0 : i32
      scf.yield %scan3A_54 : i32
    }
    %scan3A_13 = arith.constant 512 : i32
    %mul3A_14 = arith.constant 128 : i32
    %mul3A_15 = arith.muli %arg1, %mul3A_14 : i32
    "tpu.region"() ({
      %run_scoped3A = tpu.sem_alloc : memref<!tpu.dma_semaphore, #tpu.memory_space<semaphore_mem>>
      %dma_start3A = arith.constant 0 : i32
      %dma_start3A_35 = tpu.memref_slice %arg11[%dma_start3A] : memref<16384xf32, #tpu.memory_space<vmem>> -> memref<128xf32, #tpu.memory_space<vmem>>
      %dma_start3A_36 = tpu.memref_slice %arg13[%mul3A_15] : memref<2048xf32, #tpu.memory_space<vmem_shared>> -> memref<128xf32, #tpu.memory_space<vmem_shared>>
      %dma_start3A_37 = tpu.memref_slice %arg13[%mul3A_15] : memref<2048xf32, #tpu.memory_space<vmem_shared>> -> memref<128xf32, #tpu.memory_space<vmem_shared>>
      %dma_start3A_38 = arith.constant 0 : i32
      %dma_start3A_39 = tpu.memref_slice %arg11[%dma_start3A_38] : memref<16384xf32, #tpu.memory_space<vmem>> -> memref<128xf32, #tpu.memory_space<vmem>>
      tpu.enqueue_dma source(%dma_start3A_39 : memref<128xf32, #tpu.memory_space<vmem>>) target(%dma_start3A_37 : memref<128xf32, #tpu.memory_space<vmem_shared>>) target_semaphore(%run_scoped3A : memref<!tpu.dma_semaphore, #tpu.memory_space<semaphore_mem>>)
      %dma_wait3A = arith.constant 0 : i32
      %dma_wait3A_40 = tpu.memref_slice %arg11[%dma_wait3A] : memref<16384xf32, #tpu.memory_space<vmem>> -> memref<128xf32, #tpu.memory_space<vmem>>
      %dma_wait3A_41 = tpu.memref_slice %arg13[%mul3A_15] : memref<2048xf32, #tpu.memory_space<vmem_shared>> -> memref<128xf32, #tpu.memory_space<vmem_shared>>
      %dma_wait3A_42 = tpu.memref_slice %arg13[%mul3A_15] : memref<2048xf32, #tpu.memory_space<vmem_shared>> -> memref<128xf32, #tpu.memory_space<vmem_shared>>
      %dma_wait3A_43 = arith.constant 0 : i32
      %dma_wait3A_44 = tpu.memref_slice %arg11[%dma_wait3A_43] : memref<16384xf32, #tpu.memory_space<vmem>> -> memref<128xf32, #tpu.memory_space<vmem>>
      tpu.wait_dma2 semaphore(%run_scoped3A : memref<!tpu.dma_semaphore, #tpu.memory_space<semaphore_mem>>) src(%dma_wait3A_44 : memref<128xf32, #tpu.memory_space<vmem>>) dst(%dma_wait3A_42 : memref<128xf32, #tpu.memory_space<vmem_shared>>)
      tpu.yield
    }) : () -> ()
    %barrier3A = arith.constant 0 : index
    tpu.barrier barrier_id(%barrier3A)
    %mul3A_16 = arith.constant 2048 : i32
    %mul3A_17 = arith.muli %arg0, %mul3A_16 : i32
    %scan3A_18 = arith.constant 0 : i32
    %scan3A_19 = arith.constant 0 : i32
    %scan3A_20 = arith.constant 512 : i32
    %scan3A_21 = arith.addi %scan3A_19, %scan3A_20 : i32
    %scan3A_22 = arith.constant 1 : i32
    %scan3A_23 = scf.for %scan3A_35 = %scan3A_19 to %scan3A_21 step %scan3A_22 iter_args(%scan3A_36 = %scan3A_18) -> (i32)  : i32 {
      %mul3A_37 = arith.constant 16 : i32
      %mul3A_38 = arith.muli %scan3A_35, %mul3A_37 : i32
      %get3A = arith.index_cast %mul3A_38 : i32 to index
      %get3A_39 = tpu.vector_load %arg6[%get3A] {strides = array<i32>} : memref<8192xi32, #tpu.memory_space<vmem>>, vector<16xi32>,
      %get3A_40 = vector.shape_cast %get3A_39 : vector<16xi32> to vector<16xi32>
      %sub3A = vector.broadcast %mul3A_17 : i32 to vector<16xi32>
      %sub3A_41 = arith.subi %get3A_40, %sub3A : vector<16xi32>
      %ge3A = arith.constant 0 : i32
      %ge3A_42 = vector.broadcast %ge3A : i32 to vector<16xi32>
      %ge3A_43 = arith.cmpi sge, %sub3A_41, %ge3A_42 : vector<16xi32>
      %lt3A = arith.constant 2048 : i32
      %lt3A_44 = vector.broadcast %lt3A : i32 to vector<16xi32>
      %lt3A_45 = arith.cmpi slt, %sub3A_41, %lt3A_44 : vector<16xi32>
      %and3A = arith.andi %ge3A_43, %lt3A_45 : vector<16xi1>
      %mul3A_46 = arith.constant 8192 : i32
      %mul3A_47 = arith.muli %arg1, %mul3A_46 : i32
      %mul3A_48 = arith.constant 16 : i32
      %mul3A_49 = arith.muli %scan3A_35, %mul3A_48 : i32
      %add3A = arith.addi %mul3A_47, %mul3A_49 : i32
      %add3A_50 = vector.broadcast %add3A : i32 to vector<16xi32>
      %add3A_51 = arith.addi %add3A_50, %iota3A : vector<16xi32>
      %and3A_52 = arith.constant 2047 : i32
      %and3A_53 = vector.broadcast %and3A_52 : i32 to vector<16xi32>
      %and3A_54 = arith.andi %add3A_51, %and3A_53 : vector<16xi32>
      %select_n3A = arith.select %and3A, %sub3A_41, %and3A_54 : vector<16xi1>, vector<16xi32>
      %mul3A_55 = arith.constant 16 : i32
      %mul3A_56 = arith.muli %scan3A_35, %mul3A_55 : i32
      %swap3A = arith.index_cast %mul3A_56 : i32 to index
      %swap3A_57 = tpu.vector_load %arg10[%swap3A] {strides = array<i32>} : memref<8192xi32, #tpu.memory_space<vmem>>, vector<16xi32>,
      %swap3A_58 = vector.shape_cast %swap3A_57 : vector<16xi32> to vector<16xi32>
      %swap3A_59 = vector.shape_cast %select_n3A : vector<16xi32> to vector<16xi32>
      tpu.vector_store %arg10[%swap3A], %swap3A_59 {strides = array<i32>} : memref<8192xi32, #tpu.memory_space<vmem>>, vector<16xi32>,
      %jit3A = arith.constant 1.000000e+00 : f32
      %jit3A_60 = arith.constant 0.000000e+00 : f32
      %broadcast_in_dim3A = vector.broadcast %jit3A : f32 to vector<16xf32>
      %broadcast_in_dim3A_61 = vector.broadcast %jit3A_60 : f32 to vector<16xf32>
      %select_n3A_62 = arith.select %and3A, %broadcast_in_dim3A, %broadcast_in_dim3A_61 : vector<16xi1>, vector<16xf32>
      %mul3A_63 = arith.constant 16 : i32
      %mul3A_64 = arith.muli %scan3A_35, %mul3A_63 : i32
      %swap3A_65 = arith.index_cast %mul3A_64 : i32 to index
      %swap3A_66 = tpu.vector_load %arg9[%swap3A_65] {strides = array<i32>} : memref<8192xf32, #tpu.memory_space<vmem>>, vector<16xf32>,
      %swap3A_67 = vector.shape_cast %swap3A_66 : vector<16xf32> to vector<16xf32>
      %swap3A_68 = vector.shape_cast %select_n3A_62 : vector<16xf32> to vector<16xf32>
      tpu.vector_store %arg9[%swap3A_65], %swap3A_68 {strides = array<i32>} : memref<8192xf32, #tpu.memory_space<vmem>>, vector<16xf32>,
      %scan3A_69 = arith.constant 0 : i32
      scf.yield %scan3A_69 : i32
    }
    %scan3A_24 = arith.constant 512 : i32
    "tpu.region"() ({
      %run_scoped3A = tpu.sem_alloc : memref<!tpu.dma_semaphore, #tpu.memory_space<semaphore_mem>>
      %dma_start3A = arith.constant 0 : i32
      %dma_start3A_35 = tpu.memref_slice %arg13[%dma_start3A] : memref<2048xf32, #tpu.memory_space<vmem_shared>> -> memref<2048xf32, #tpu.memory_space<vmem_shared>>
      tpu.enqueue_indirect_dma source(%arg9 : memref<8192xf32, #tpu.memory_space<vmem>>) target(%dma_start3A_35 : memref<2048xf32, #tpu.memory_space<vmem_shared>>) offsets(%arg10 : memref<8192xi32, #tpu.memory_space<vmem>>) semaphore(%run_scoped3A : memref<!tpu.dma_semaphore, #tpu.memory_space<semaphore_mem>>) {add = true}
      %dma_wait3A = arith.constant 0 : i32
      %dma_wait3A_36 = tpu.memref_slice %arg13[%dma_wait3A] : memref<2048xf32, #tpu.memory_space<vmem_shared>> -> memref<2048xf32, #tpu.memory_space<vmem_shared>>
      tpu.wait_indirect_dma semaphore(%run_scoped3A : memref<!tpu.dma_semaphore, #tpu.memory_space<semaphore_mem>>) src(%arg9 : memref<8192xf32, #tpu.memory_space<vmem>>) dst(%dma_wait3A_36 : memref<2048xf32, #tpu.memory_space<vmem_shared>>)
      tpu.yield
    }) : () -> ()
    %barrier3A_25 = arith.constant 0 : index
    tpu.barrier barrier_id(%barrier3A_25)
    %eq3A = arith.constant 0 : i32
    %eq3A_26 = arith.cmpi eq, %arg1, %eq3A : i32
    %convert_element_type3A = arith.extui %eq3A_26 : i1 to i32
    %cond3A = arith.constant 0 : i32
    %cond3A_27 = arith.cmpi ne, %convert_element_type3A, %cond3A : i32
    scf.if %cond3A_27 {
      %mul3A_35 = arith.constant 2048 : i32
      %mul3A_36 = arith.muli %arg0, %mul3A_35 : i32
      "tpu.region"() ({
        %run_scoped3A = tpu.sem_alloc : memref<!tpu.dma_semaphore, #tpu.memory_space<semaphore_mem>>
        %dma_start3A = tpu.memref_slice %arg5[%mul3A_36] : memref<4096xf32, #tpu.memory_space<hbm>> -> memref<2048xf32, #tpu.memory_space<hbm>>
        tpu.enqueue_dma source(%arg13 : memref<2048xf32, #tpu.memory_space<vmem_shared>>) target(%dma_start3A : memref<2048xf32, #tpu.memory_space<hbm>>) target_semaphore(%run_scoped3A : memref<!tpu.dma_semaphore, #tpu.memory_space<semaphore_mem>>)
        %dma_wait3A = tpu.memref_slice %arg5[%mul3A_36] : memref<4096xf32, #tpu.memory_space<hbm>> -> memref<2048xf32, #tpu.memory_space<hbm>>
        tpu.wait_dma2 semaphore(%run_scoped3A : memref<!tpu.dma_semaphore, #tpu.memory_space<semaphore_mem>>) src(%arg13 : memref<2048xf32, #tpu.memory_space<vmem_shared>>) dst(%dma_wait3A : memref<2048xf32, #tpu.memory_space<hbm>>)
        tpu.yield
      }) : () -> ()
    } else {
    }
    %scan3A_28 = arith.constant 0 : i32
    %scan3A_29 = arith.constant 0 : i32
    %scan3A_30 = arith.constant 8 : i32
    %scan3A_31 = arith.addi %scan3A_29, %scan3A_30 : i32
    %scan3A_32 = arith.constant 1 : i32
    %scan3A_33 = scf.for %scan3A_35 = %scan3A_29 to %scan3A_31 step %scan3A_32 iter_args(%scan3A_36 = %scan3A_28) -> (i32)  : i32 {
      %mul3A_37 = arith.constant 2048 : i32
      %mul3A_38 = arith.muli %arg0, %mul3A_37 : i32
      %mul3A_39 = arith.constant 256 : i32
      %mul3A_40 = arith.muli %scan3A_35, %mul3A_39 : i32
      %add3A = arith.addi %mul3A_38, %mul3A_40 : i32
      %mul3A_41 = arith.constant 4096 : i32
      %mul3A_42 = arith.muli %add3A, %mul3A_41 : i32
      %scan3A_43 = arith.constant 0 : i32
      %scan3A_44 = arith.constant 0 : i32
      %scan3A_45 = arith.constant 4 : i32
      %scan3A_46 = arith.addi %scan3A_44, %scan3A_45 : i32
      %scan3A_47 = arith.constant 1 : i32
      %scan3A_48 = scf.for %scan3A_66 = %scan3A_44 to %scan3A_46 step %scan3A_47 iter_args(%scan3A_67 = %scan3A_43) -> (i32)  : i32 {
        %mul3A_68 = arith.constant 65536 : i32
        %mul3A_69 = arith.muli %arg1, %mul3A_68 : i32
        %mul3A_70 = arith.constant 16384 : i32
        %mul3A_71 = arith.muli %scan3A_66, %mul3A_70 : i32
        %add3A_72 = arith.addi %mul3A_69, %mul3A_71 : i32
        "tpu.region"() ({
          %run_scoped3A = tpu.sem_alloc : memref<!tpu.dma_semaphore, #tpu.memory_space<semaphore_mem>>
          %dma_start3A = tpu.memref_slice %arg12[%add3A_72] : memref<1048576xf32, #tpu.memory_space<vmem_shared>> -> memref<16384xf32, #tpu.memory_space<vmem_shared>>
          %dma_start3A_74 = tpu.memref_slice %arg12[%add3A_72] : memref<1048576xf32, #tpu.memory_space<vmem_shared>> -> memref<16384xf32, #tpu.memory_space<vmem_shared>>
          tpu.enqueue_dma source(%arg11 : memref<16384xf32, #tpu.memory_space<vmem>>) target(%dma_start3A_74 : memref<16384xf32, #tpu.memory_space<vmem_shared>>) target_semaphore(%run_scoped3A : memref<!tpu.dma_semaphore, #tpu.memory_space<semaphore_mem>>)
          %dma_wait3A = tpu.memref_slice %arg12[%add3A_72] : memref<1048576xf32, #tpu.memory_space<vmem_shared>> -> memref<16384xf32, #tpu.memory_space<vmem_shared>>
          %dma_wait3A_75 = tpu.memref_slice %arg12[%add3A_72] : memref<1048576xf32, #tpu.memory_space<vmem_shared>> -> memref<16384xf32, #tpu.memory_space<vmem_shared>>
          tpu.wait_dma2 semaphore(%run_scoped3A : memref<!tpu.dma_semaphore, #tpu.memory_space<semaphore_mem>>) src(%arg11 : memref<16384xf32, #tpu.memory_space<vmem>>) dst(%dma_wait3A_75 : memref<16384xf32, #tpu.memory_space<vmem_shared>>)
          tpu.yield
        }) : () -> ()
        %scan3A_73 = arith.constant 0 : i32
        scf.yield %scan3A_73 : i32
      }
      %scan3A_49 = arith.constant 4 : i32
      %barrier3A_50 = arith.constant 0 : index
      tpu.barrier barrier_id(%barrier3A_50)
      %scan3A_51 = arith.constant 0 : i32
      %scan3A_52 = arith.constant 0 : i32
      %scan3A_53 = arith.constant 512 : i32
      %scan3A_54 = arith.addi %scan3A_52, %scan3A_53 : i32
      %scan3A_55 = arith.constant 1 : i32
      %scan3A_56 = scf.for %scan3A_66 = %scan3A_52 to %scan3A_54 step %scan3A_55 iter_args(%scan3A_67 = %scan3A_51) -> (i32)  : i32 {
        %mul3A_68 = arith.constant 16 : i32
        %mul3A_69 = arith.muli %scan3A_66, %mul3A_68 : i32
        %get3A = arith.index_cast %mul3A_69 : i32 to index
        %get3A_70 = tpu.vector_load %arg8[%get3A] {strides = array<i32>} : memref<8192xi32, #tpu.memory_space<vmem>>, vector<16xi32>,
        %get3A_71 = vector.shape_cast %get3A_70 : vector<16xi32> to vector<16xi32>
        %sub3A = vector.broadcast %mul3A_42 : i32 to vector<16xi32>
        %sub3A_72 = arith.subi %get3A_71, %sub3A : vector<16xi32>
        %ge3A = arith.constant 0 : i32
        %ge3A_73 = vector.broadcast %ge3A : i32 to vector<16xi32>
        %ge3A_74 = arith.cmpi sge, %sub3A_72, %ge3A_73 : vector<16xi32>
        %lt3A = arith.constant 1048576 : i32
        %lt3A_75 = vector.broadcast %lt3A : i32 to vector<16xi32>
        %lt3A_76 = arith.cmpi slt, %sub3A_72, %lt3A_75 : vector<16xi32>
        %and3A = arith.andi %ge3A_74, %lt3A_76 : vector<16xi1>
        %mul3A_77 = arith.constant 8192 : i32
        %mul3A_78 = arith.muli %arg1, %mul3A_77 : i32
        %mul3A_79 = arith.constant 16 : i32
        %mul3A_80 = arith.muli %scan3A_66, %mul3A_79 : i32
        %add3A_81 = arith.addi %mul3A_78, %mul3A_80 : i32
        %add3A_82 = vector.broadcast %add3A_81 : i32 to vector<16xi32>
        %add3A_83 = arith.addi %add3A_82, %iota3A : vector<16xi32>
        %mul3A_84 = arith.constant 4 : i32
        %mul3A_85 = vector.broadcast %mul3A_84 : i32 to vector<16xi32>
        %mul3A_86 = arith.muli %add3A_83, %mul3A_85 : vector<16xi32>
        %and3A_87 = arith.constant 1048575 : i32
        %and3A_88 = vector.broadcast %and3A_87 : i32 to vector<16xi32>
        %and3A_89 = arith.andi %mul3A_86, %and3A_88 : vector<16xi32>
        %select_n3A = arith.select %and3A, %sub3A_72, %and3A_89 : vector<16xi1>, vector<16xi32>
        %mul3A_90 = arith.constant 16 : i32
        %mul3A_91 = arith.muli %scan3A_66, %mul3A_90 : i32
        %swap3A = arith.index_cast %mul3A_91 : i32 to index
        %swap3A_92 = tpu.vector_load %arg10[%swap3A] {strides = array<i32>} : memref<8192xi32, #tpu.memory_space<vmem>>, vector<16xi32>,
        %swap3A_93 = vector.shape_cast %swap3A_92 : vector<16xi32> to vector<16xi32>
        %swap3A_94 = vector.shape_cast %select_n3A : vector<16xi32> to vector<16xi32>
        tpu.vector_store %arg10[%swap3A], %swap3A_94 {strides = array<i32>} : memref<8192xi32, #tpu.memory_space<vmem>>, vector<16xi32>,
        %jit3A = arith.constant 1.000000e+00 : f32
        %jit3A_95 = arith.constant 0.000000e+00 : f32
        %broadcast_in_dim3A = vector.broadcast %jit3A : f32 to vector<16xf32>
        %broadcast_in_dim3A_96 = vector.broadcast %jit3A_95 : f32 to vector<16xf32>
        %select_n3A_97 = arith.select %and3A, %broadcast_in_dim3A, %broadcast_in_dim3A_96 : vector<16xi1>, vector<16xf32>
        %mul3A_98 = arith.constant 16 : i32
        %mul3A_99 = arith.muli %scan3A_66, %mul3A_98 : i32
        %swap3A_100 = arith.index_cast %mul3A_99 : i32 to index
        %swap3A_101 = tpu.vector_load %arg9[%swap3A_100] {strides = array<i32>} : memref<8192xf32, #tpu.memory_space<vmem>>, vector<16xf32>,
        %swap3A_102 = vector.shape_cast %swap3A_101 : vector<16xf32> to vector<16xf32>
        %swap3A_103 = vector.shape_cast %select_n3A_97 : vector<16xf32> to vector<16xf32>
        tpu.vector_store %arg9[%swap3A_100], %swap3A_103 {strides = array<i32>} : memref<8192xf32, #tpu.memory_space<vmem>>, vector<16xf32>,
        %scan3A_104 = arith.constant 0 : i32
        scf.yield %scan3A_104 : i32
      }
      %scan3A_57 = arith.constant 512 : i32
      "tpu.region"() ({
        %run_scoped3A = tpu.sem_alloc : memref<!tpu.dma_semaphore, #tpu.memory_space<semaphore_mem>>
        %dma_start3A = arith.constant 0 : i32
        %dma_start3A_66 = tpu.memref_slice %arg12[%dma_start3A] : memref<1048576xf32, #tpu.memory_space<vmem_shared>> -> memref<1048576xf32, #tpu.memory_space<vmem_shared>>
        tpu.enqueue_indirect_dma source(%arg9 : memref<8192xf32, #tpu.memory_space<vmem>>) target(%dma_start3A_66 : memref<1048576xf32, #tpu.memory_space<vmem_shared>>) offsets(%arg10 : memref<8192xi32, #tpu.memory_space<vmem>>) semaphore(%run_scoped3A : memref<!tpu.dma_semaphore, #tpu.memory_space<semaphore_mem>>) {add = true}
        %dma_wait3A = arith.constant 0 : i32
        %dma_wait3A_67 = tpu.memref_slice %arg12[%dma_wait3A] : memref<1048576xf32, #tpu.memory_space<vmem_shared>> -> memref<1048576xf32, #tpu.memory_space<vmem_shared>>
        tpu.wait_indirect_dma semaphore(%run_scoped3A : memref<!tpu.dma_semaphore, #tpu.memory_space<semaphore_mem>>) src(%arg9 : memref<8192xf32, #tpu.memory_space<vmem>>) dst(%dma_wait3A_67 : memref<1048576xf32, #tpu.memory_space<vmem_shared>>)
        tpu.yield
      }) : () -> ()
      %barrier3A_58 = arith.constant 0 : index
      tpu.barrier barrier_id(%barrier3A_58)
      %mul3A_59 = arith.constant 65536 : i32
      %mul3A_60 = arith.muli %arg1, %mul3A_59 : i32
      %mul3A_61 = arith.constant 65536 : i32
      %mul3A_62 = arith.muli %arg1, %mul3A_61 : i32
      %add3A_63 = arith.addi %mul3A_42, %mul3A_62 : i32
      "tpu.region"() ({
        %run_scoped3A = tpu.sem_alloc : memref<!tpu.dma_semaphore, #tpu.memory_space<semaphore_mem>>
        %dma_start3A = tpu.memref_slice %arg4[%add3A_63] : memref<16777216xf32, #tpu.memory_space<hbm>> -> memref<65536xf32, #tpu.memory_space<hbm>>
        %dma_start3A_66 = tpu.memref_slice %arg12[%mul3A_60] : memref<1048576xf32, #tpu.memory_space<vmem_shared>> -> memref<65536xf32, #tpu.memory_space<vmem_shared>>
        tpu.enqueue_dma source(%dma_start3A_66 : memref<65536xf32, #tpu.memory_space<vmem_shared>>) target(%dma_start3A : memref<65536xf32, #tpu.memory_space<hbm>>) target_semaphore(%run_scoped3A : memref<!tpu.dma_semaphore, #tpu.memory_space<semaphore_mem>>)
        %dma_wait3A = tpu.memref_slice %arg4[%add3A_63] : memref<16777216xf32, #tpu.memory_space<hbm>> -> memref<65536xf32, #tpu.memory_space<hbm>>
        %dma_wait3A_67 = tpu.memref_slice %arg12[%mul3A_60] : memref<1048576xf32, #tpu.memory_space<vmem_shared>> -> memref<65536xf32, #tpu.memory_space<vmem_shared>>
        tpu.wait_dma2 semaphore(%run_scoped3A : memref<!tpu.dma_semaphore, #tpu.memory_space<semaphore_mem>>) src(%dma_wait3A_67 : memref<65536xf32, #tpu.memory_space<vmem_shared>>) dst(%dma_wait3A : memref<65536xf32, #tpu.memory_space<hbm>>)
        tpu.yield
      }) : () -> ()
      %barrier3A_64 = arith.constant 0 : index
      tpu.barrier barrier_id(%barrier3A_64)
      %scan3A_65 = arith.constant 0 : i32
      scf.yield %scan3A_65 : i32
    }
    %scan3A_34 = arith.constant 8 : i32
    return
  }
}

module attributes {stable_mosaic.version = 14 : i64} {
  func.func @_dinv_vec_kernel(%arg0: memref<4096x1xf32, #tpu.memory_space<vmem>>, %arg1: memref<4096x1xf32, #tpu.memory_space<vmem>>) attributes {dimension_semantics = [], scalar_prefetch = 0 : i64, scratch_operands = 0 : i64, tpu.core_type = #tpu.core_type<tc>} {
    %get3A = arith.constant 0 : index
    %get3A_0 = arith.constant 0 : index
    %get3A_1 = vector.load %arg0[%get3A, %get3A_0] : memref<4096x1xf32, #tpu.memory_space<vmem>>, vector<4096x1xf32>
    %gt3A = arith.constant 0.000000e+00 : f32
    %gt3A_2 = vector.broadcast %gt3A : f32 to vector<4096x1xf32>
    %gt3A_3 = arith.cmpf ogt, %get3A_1, %gt3A_2 : vector<4096x1xf32>
    %max3A = arith.constant 9.99999996E-13 : f32
    %max3A_4 = vector.broadcast %max3A : f32 to vector<4096x1xf32>
    %max3A_5 = arith.maximumf %get3A_1, %max3A_4 : vector<4096x1xf32>
    %rsqrt3A = math.rsqrt %max3A_5 : vector<4096x1xf32>
    %jit3A = arith.constant 0.000000e+00 : f32
    %broadcast_in_dim3A = vector.broadcast %jit3A : f32 to vector<4096x1xf32>
    %select_n3A = arith.select %gt3A_3, %rsqrt3A, %broadcast_in_dim3A : vector<4096x1xi1>, vector<4096x1xf32>
    %swap3A = arith.constant 0 : index
    %swap3A_6 = arith.constant 0 : index
    %swap3A_7 = vector.load %arg1[%swap3A, %swap3A_6] : memref<4096x1xf32, #tpu.memory_space<vmem>>, vector<4096x1xf32>
    tpu.vector_store %arg1[%swap3A, %swap3A_6], %select_n3A {strides = array<i32>} : memref<4096x1xf32, #tpu.memory_space<vmem>>, vector<4096x1xf32>,
    return
  }
}

module attributes {stable_mosaic.version = 14 : i64} {
  func.func @_prop_kernel(%arg0: i32, %arg1: memref<256x4096xf32, #tpu.memory_space<vmem>>, %arg2: memref<4096x256xf32, #tpu.memory_space<vmem>>, %arg3: memref<256x128xf32, #tpu.memory_space<vmem>>, %arg4: memref<256x1xf32, #tpu.memory_space<vmem>>, %arg5: memref<1x4096xf32, #tpu.memory_space<vmem>>, %arg6: memref<256x128xf32, #tpu.memory_space<vmem>>, %arg7: memref<4096x128xf32, #tpu.memory_space<vmem>>) attributes {dimension_semantics = [#tpu.dimension_semantics<arbitrary>], iteration_bounds = array<i64: 16>, scalar_prefetch = 0 : i64, scratch_operands = 1 : i64, tpu.core_type = #tpu.core_type<tc>, window_params = [{transform_indices = @transform_0, window_bounds = array<i64: 256, 4096>}, {pipeline_mode = #tpu.pipeline_mode<synchronous>, transform_indices = @transform_1, window_bounds = array<i64: 4096, 256>}, {pipeline_mode = #tpu.pipeline_mode<synchronous>, transform_indices = @transform_2, window_bounds = array<i64: 256, 128>}, {transform_indices = @transform_3, window_bounds = array<i64: 256, 1>}, {pipeline_mode = #tpu.pipeline_mode<synchronous>, transform_indices = @transform_4, window_bounds = array<i64: 1, 4096>}, {transform_indices = @transform_5, window_bounds = array<i64: 256, 128>}]} {
    %eq3A = arith.constant 0 : i32
    %eq3A_0 = arith.cmpi eq, %arg0, %eq3A : i32
    %convert_element_type3A = arith.extui %eq3A_0 : i1 to i32
    %cond3A = arith.constant 0 : i32
    %cond3A_1 = arith.cmpi ne, %convert_element_type3A, %cond3A : i32
    scf.if %cond3A_1 {
      %get3A_21 = arith.constant 0 : index
      %get3A_22 = arith.constant 0 : index
      %get3A_23 = vector.load %arg2[%get3A_21, %get3A_22] : memref<4096x256xf32, #tpu.memory_space<vmem>>, vector<4096x256xf32>
      %get3A_24 = arith.constant 0 : index
      %get3A_25 = arith.constant 0 : index
      %get3A_26 = vector.load %arg3[%get3A_24, %get3A_25] : memref<256x128xf32, #tpu.memory_space<vmem>>, vector<256x128xf32>
      %dot_general3A_27 = arith.constant dense<0.000000e+00> : vector<4096x128xf32>
      %dot_general3A_28 = tpu.matmul %get3A_23, %get3A_26, %dot_general3A_27 {dimension_numbers = #tpu.dot_dimension_numbers<[1], [0], [0], [1], [0, 0, 1, 1], [], []>, transpose_lhs_hint = false} : vector<4096x256xf32>, vector<256x128xf32>, vector<4096x128xf32> -> vector<4096x128xf32>
      %swap3A_29 = arith.constant 0 : index
      %swap3A_30 = arith.constant 0 : index
      %swap3A_31 = vector.load %arg7[%swap3A_29, %swap3A_30] : memref<4096x128xf32, #tpu.memory_space<vmem>>, vector<4096x128xf32>
      tpu.vector_store %arg7[%swap3A_29, %swap3A_30], %dot_general3A_28 {strides = array<i32>} : memref<4096x128xf32, #tpu.memory_space<vmem>>, vector<4096x128xf32>,
    } else {
    }
    %get3A = arith.constant 0 : index
    %get3A_2 = arith.constant 0 : index
    %get3A_3 = vector.load %arg4[%get3A, %get3A_2] : memref<256x1xf32, #tpu.memory_space<vmem>>, vector<256x1xf32>
    %get3A_4 = arith.constant 0 : index
    %get3A_5 = arith.constant 0 : index
    %get3A_6 = vector.load %arg1[%get3A_4, %get3A_5] : memref<256x4096xf32, #tpu.memory_space<vmem>>, vector<256x4096xf32>
    %mul3A = vector.broadcast %get3A_3 : vector<256x1xf32> to vector<256x4096xf32>
    %mul3A_7 = arith.mulf %mul3A, %get3A_6 : vector<256x4096xf32>
    %get3A_8 = arith.constant 0 : index
    %get3A_9 = arith.constant 0 : index
    %get3A_10 = vector.load %arg5[%get3A_8, %get3A_9] : memref<1x4096xf32, #tpu.memory_space<vmem>>, vector<1x4096xf32>
    %mul3A_11 = vector.broadcast %get3A_10 : vector<1x4096xf32> to vector<256x4096xf32>
    %mul3A_12 = arith.mulf %mul3A_7, %mul3A_11 : vector<256x4096xf32>
    %get3A_13 = arith.constant 0 : index
    %get3A_14 = arith.constant 0 : index
    %get3A_15 = vector.load %arg7[%get3A_13, %get3A_14] : memref<4096x128xf32, #tpu.memory_space<vmem>>, vector<4096x128xf32>
    %dot_general3A = arith.constant dense<0.000000e+00> : vector<256x128xf32>
    %dot_general3A_16 = tpu.matmul %mul3A_12, %get3A_15, %dot_general3A {dimension_numbers = #tpu.dot_dimension_numbers<[1], [0], [0], [1], [0, 0, 1, 1], [], []>, transpose_lhs_hint = false} : vector<256x4096xf32>, vector<4096x128xf32>, vector<256x128xf32> -> vector<256x128xf32>
    %max3A = arith.constant 0.000000e+00 : f32
    %max3A_17 = vector.broadcast %max3A : f32 to vector<256x128xf32>
    %max3A_18 = arith.maximumf %dot_general3A_16, %max3A_17 : vector<256x128xf32>
    %swap3A = arith.constant 0 : index
    %swap3A_19 = arith.constant 0 : index
    %swap3A_20 = vector.load %arg6[%swap3A, %swap3A_19] : memref<256x128xf32, #tpu.memory_space<vmem>>, vector<256x128xf32>
    tpu.vector_store %arg6[%swap3A, %swap3A_19], %max3A_18 {strides = array<i32>} : memref<256x128xf32, #tpu.memory_space<vmem>>, vector<256x128xf32>,
    return
  }
  func.func @transform_0(%arg0: i32) -> (i32, i32) {
    %c0_i32 = arith.constant 0 : i32
    %c0_i32_0 = arith.constant 0 : i32
    return %arg0, %c0_i32 : i32, i32
  }
  func.func @transform_1(%arg0: i32) -> (i32, i32) {
    %c0_i32 = arith.constant 0 : i32
    %c0_i32_0 = arith.constant 0 : i32
    %c0_i32_1 = arith.constant 0 : i32
    return %c0_i32, %c0_i32_0 : i32, i32
  }
  func.func @transform_2(%arg0: i32) -> (i32, i32) {
    %c0_i32 = arith.constant 0 : i32
    %c0_i32_0 = arith.constant 0 : i32
    %c0_i32_1 = arith.constant 0 : i32
    return %c0_i32, %c0_i32_0 : i32, i32
  }
  func.func @transform_3(%arg0: i32) -> (i32, i32) {
    %c0_i32 = arith.constant 0 : i32
    %c0_i32_0 = arith.constant 0 : i32
    return %arg0, %c0_i32 : i32, i32
  }
  func.func @transform_4(%arg0: i32) -> (i32, i32) {
    %c0_i32 = arith.constant 0 : i32
    %c0_i32_0 = arith.constant 0 : i32
    %c0_i32_1 = arith.constant 0 : i32
    return %c0_i32, %c0_i32_0 : i32, i32
  }
  func.func @transform_5(%arg0: i32) -> (i32, i32) {
    %c0_i32 = arith.constant 0 : i32
    %c0_i32_0 = arith.constant 0 : i32
    return %arg0, %c0_i32 : i32, i32
  }
}

module attributes {stable_mosaic.version = 14 : i64} {
  func.func @_prop_kernel(%arg0: i32, %arg1: memref<256x4096xf32, #tpu.memory_space<vmem>>, %arg2: memref<4096x128xf32, #tpu.memory_space<vmem>>, %arg3: memref<128x256xf32, #tpu.memory_space<vmem>>, %arg4: memref<256x1xf32, #tpu.memory_space<vmem>>, %arg5: memref<1x4096xf32, #tpu.memory_space<vmem>>, %arg6: memref<256x256xf32, #tpu.memory_space<vmem>>, %arg7: memref<4096x256xf32, #tpu.memory_space<vmem>>) attributes {dimension_semantics = [#tpu.dimension_semantics<arbitrary>], iteration_bounds = array<i64: 16>, scalar_prefetch = 0 : i64, scratch_operands = 1 : i64, tpu.core_type = #tpu.core_type<tc>, window_params = [{transform_indices = @transform_0, window_bounds = array<i64: 256, 4096>}, {pipeline_mode = #tpu.pipeline_mode<synchronous>, transform_indices = @transform_1, window_bounds = array<i64: 4096, 128>}, {pipeline_mode = #tpu.pipeline_mode<synchronous>, transform_indices = @transform_2, window_bounds = array<i64: 128, 256>}, {transform_indices = @transform_3, window_bounds = array<i64: 256, 1>}, {pipeline_mode = #tpu.pipeline_mode<synchronous>, transform_indices = @transform_4, window_bounds = array<i64: 1, 4096>}, {transform_indices = @transform_5, window_bounds = array<i64: 256, 256>}]} {
    %eq3A = arith.constant 0 : i32
    %eq3A_0 = arith.cmpi eq, %arg0, %eq3A : i32
    %convert_element_type3A = arith.extui %eq3A_0 : i1 to i32
    %cond3A = arith.constant 0 : i32
    %cond3A_1 = arith.cmpi ne, %convert_element_type3A, %cond3A : i32
    scf.if %cond3A_1 {
      %get3A_24 = arith.constant 0 : index
      %get3A_25 = arith.constant 0 : index
      %get3A_26 = vector.load %arg2[%get3A_24, %get3A_25] : memref<4096x128xf32, #tpu.memory_space<vmem>>, vector<4096x128xf32>
      %get3A_27 = arith.constant 0 : index
      %get3A_28 = arith.constant 0 : index
      %get3A_29 = vector.load %arg3[%get3A_27, %get3A_28] : memref<128x256xf32, #tpu.memory_space<vmem>>, vector<128x256xf32>
      %dot_general3A_30 = arith.constant dense<0.000000e+00> : vector<4096x256xf32>
      %dot_general3A_31 = tpu.matmul %get3A_26, %get3A_29, %dot_general3A_30 {dimension_numbers = #tpu.dot_dimension_numbers<[1], [0], [0], [1], [0, 0, 1, 1], [], []>, transpose_lhs_hint = false} : vector<4096x128xf32>, vector<128x256xf32>, vector<4096x256xf32> -> vector<4096x256xf32>
      %swap3A_32 = arith.constant 0 : index
      %swap3A_33 = arith.constant 0 : index
      %swap3A_34 = vector.load %arg7[%swap3A_32, %swap3A_33] : memref<4096x256xf32, #tpu.memory_space<vmem>>, vector<4096x256xf32>
      tpu.vector_store %arg7[%swap3A_32, %swap3A_33], %dot_general3A_31 {strides = array<i32>} : memref<4096x256xf32, #tpu.memory_space<vmem>>, vector<4096x256xf32>,
    } else {
    }
    %get3A = arith.constant 0 : index
    %get3A_2 = arith.constant 0 : index
    %get3A_3 = vector.load %arg4[%get3A, %get3A_2] : memref<256x1xf32, #tpu.memory_space<vmem>>, vector<256x1xf32>
    %get3A_4 = arith.constant 0 : index
    %get3A_5 = arith.constant 0 : index
    %get3A_6 = vector.load %arg1[%get3A_4, %get3A_5] : memref<256x4096xf32, #tpu.memory_space<vmem>>, vector<256x4096xf32>
    %mul3A = vector.broadcast %get3A_3 : vector<256x1xf32> to vector<256x4096xf32>
    %mul3A_7 = arith.mulf %mul3A, %get3A_6 : vector<256x4096xf32>
    %get3A_8 = arith.constant 0 : index
    %get3A_9 = arith.constant 0 : index
    %get3A_10 = vector.load %arg5[%get3A_8, %get3A_9] : memref<1x4096xf32, #tpu.memory_space<vmem>>, vector<1x4096xf32>
    %mul3A_11 = vector.broadcast %get3A_10 : vector<1x4096xf32> to vector<256x4096xf32>
    %mul3A_12 = arith.mulf %mul3A_7, %mul3A_11 : vector<256x4096xf32>
    %get3A_13 = arith.constant 0 : index
    %get3A_14 = arith.constant 0 : index
    %get3A_15 = vector.load %arg7[%get3A_13, %get3A_14] : memref<4096x256xf32, #tpu.memory_space<vmem>>, vector<4096x256xf32>
    %dot_general3A = arith.constant dense<0.000000e+00> : vector<256x256xf32>
    %dot_general3A_16 = tpu.matmul %mul3A_12, %get3A_15, %dot_general3A {dimension_numbers = #tpu.dot_dimension_numbers<[1], [0], [0], [1], [0, 0, 1, 1], [], []>, transpose_lhs_hint = false} : vector<256x4096xf32>, vector<4096x256xf32>, vector<256x256xf32> -> vector<256x256xf32>
    %mul3A_17 = arith.mulf %dot_general3A_16, %dot_general3A_16 : vector<256x256xf32>
    %reduce_sum3A = arith.constant dense<0.000000e+00> : vector<256xf32>
    %reduce_sum3A_18 = vector.multi_reduction <add>, %mul3A_17, %reduce_sum3A [1] : vector<256x256xf32> to vector<256xf32>
    %broadcast_in_dim3A = vector.shape_cast %reduce_sum3A_18 : vector<256xf32> to vector<256x1xf32>
    %sqrt3A = math.sqrt %broadcast_in_dim3A : vector<256x1xf32>
    %max3A = arith.constant 9.99999996E-13 : f32
    %max3A_19 = vector.broadcast %max3A : f32 to vector<256x1xf32>
    %max3A_20 = arith.maximumf %sqrt3A, %max3A_19 : vector<256x1xf32>
    %div3A = vector.broadcast %max3A_20 : vector<256x1xf32> to vector<256x256xf32>
    %div3A_21 = arith.divf %dot_general3A_16, %div3A : vector<256x256xf32>
    %swap3A = arith.constant 0 : index
    %swap3A_22 = arith.constant 0 : index
    %swap3A_23 = vector.load %arg6[%swap3A, %swap3A_22] : memref<256x256xf32, #tpu.memory_space<vmem>>, vector<256x256xf32>
    tpu.vector_store %arg6[%swap3A, %swap3A_22], %div3A_21 {strides = array<i32>} : memref<256x256xf32, #tpu.memory_space<vmem>>, vector<256x256xf32>,
    return
  }
  func.func @transform_0(%arg0: i32) -> (i32, i32) {
    %c0_i32 = arith.constant 0 : i32
    %c0_i32_0 = arith.constant 0 : i32
    return %arg0, %c0_i32 : i32, i32
  }
  func.func @transform_1(%arg0: i32) -> (i32, i32) {
    %c0_i32 = arith.constant 0 : i32
    %c0_i32_0 = arith.constant 0 : i32
    %c0_i32_1 = arith.constant 0 : i32
    return %c0_i32, %c0_i32_0 : i32, i32
  }
  func.func @transform_2(%arg0: i32) -> (i32, i32) {
    %c0_i32 = arith.constant 0 : i32
    %c0_i32_0 = arith.constant 0 : i32
    %c0_i32_1 = arith.constant 0 : i32
    return %c0_i32, %c0_i32_0 : i32, i32
  }
  func.func @transform_3(%arg0: i32) -> (i32, i32) {
    %c0_i32 = arith.constant 0 : i32
    %c0_i32_0 = arith.constant 0 : i32
    return %arg0, %c0_i32 : i32, i32
  }
  func.func @transform_4(%arg0: i32) -> (i32, i32) {
    %c0_i32 = arith.constant 0 : i32
    %c0_i32_0 = arith.constant 0 : i32
    %c0_i32_1 = arith.constant 0 : i32
    return %c0_i32, %c0_i32_0 : i32, i32
  }
  func.func @transform_5(%arg0: i32) -> (i32, i32) {
    %c0_i32 = arith.constant 0 : i32
    %c0_i32_0 = arith.constant 0 : i32
    return %arg0, %c0_i32 : i32, i32
  }
}

module attributes {stable_mosaic.version = 14 : i64} {
  func.func @_simthresh_kernel(%arg0: i32, %arg1: memref<256x256xf32, #tpu.memory_space<vmem>>, %arg2: memref<4096x256xf32, #tpu.memory_space<vmem>>, %arg3: memref<256x4096xf32, #tpu.memory_space<vmem>>, %arg4: memref<256x1xf32, #tpu.memory_space<vmem>>, %arg5: memref<1x1x4096xf32, #tpu.memory_space<vmem>>, %arg6: memref<256x4096xf32, #tpu.memory_space<vmem>>) attributes {dimension_semantics = [#tpu.dimension_semantics<arbitrary>], iteration_bounds = array<i64: 16>, scalar_prefetch = 0 : i64, scratch_operands = 1 : i64, tpu.core_type = #tpu.core_type<tc>, window_params = [{transform_indices = @transform_0, window_bounds = array<i64: 256, 256>}, {pipeline_mode = #tpu.pipeline_mode<synchronous>, transform_indices = @transform_1, window_bounds = array<i64: 4096, 256>}, {transform_indices = @transform_2, window_bounds = array<i64: 256, 4096>}, {transform_indices = @transform_3, window_bounds = array<i64: 256, 1>}, {transform_indices = @transform_4, window_bounds = array<i64: 1, 1, 4096>}]} {
    %get3A = arith.constant 0 : index
    %get3A_0 = arith.constant 0 : index
    %get3A_1 = vector.load %arg1[%get3A, %get3A_0] : memref<256x256xf32, #tpu.memory_space<vmem>>, vector<256x128xf32>
    %get3A_2 = arith.constant 0 : index
    %get3A_3 = arith.constant 0 : index
    %get3A_4 = vector.load %arg2[%get3A_2, %get3A_3] : memref<4096x256xf32, #tpu.memory_space<vmem>>, vector<4096x128xf32>
    %dot_general3A = arith.constant dense<0.000000e+00> : vector<256x4096xf32>
    %dot_general3A_5 = tpu.matmul %get3A_1, %get3A_4, %dot_general3A {dimension_numbers = #tpu.dot_dimension_numbers<[1], [1], [0], [0], [0, 0, 1, 0], [], []>, transpose_lhs_hint = false} : vector<256x128xf32>, vector<4096x128xf32>, vector<256x4096xf32> -> vector<256x4096xf32>
    %get3A_6 = arith.constant 0 : index
    %get3A_7 = arith.constant 128 : index
    %get3A_8 = vector.load %arg1[%get3A_6, %get3A_7] : memref<256x256xf32, #tpu.memory_space<vmem>>, vector<256x128xf32>
    %get3A_9 = arith.constant 0 : index
    %get3A_10 = arith.constant 128 : index
    %get3A_11 = vector.load %arg2[%get3A_9, %get3A_10] : memref<4096x256xf32, #tpu.memory_space<vmem>>, vector<4096x128xf32>
    %dot_general3A_12 = arith.constant dense<0.000000e+00> : vector<256x4096xf32>
    %dot_general3A_13 = tpu.matmul %get3A_8, %get3A_11, %dot_general3A_12 {dimension_numbers = #tpu.dot_dimension_numbers<[1], [1], [0], [0], [0, 0, 1, 0], [], []>, transpose_lhs_hint = false} : vector<256x128xf32>, vector<4096x128xf32>, vector<256x4096xf32> -> vector<256x4096xf32>
    %add3A = arith.addf %dot_general3A_5, %dot_general3A_13 : vector<256x4096xf32>
    %swap3A = arith.constant 0 : index
    %swap3A_14 = arith.constant 0 : index
    %swap3A_15 = vector.load %arg6[%swap3A, %swap3A_14] : memref<256x4096xf32, #tpu.memory_space<vmem>>, vector<256x4096xf32>
    tpu.vector_store %arg6[%swap3A, %swap3A_14], %add3A {strides = array<i32>} : memref<256x4096xf32, #tpu.memory_space<vmem>>, vector<256x4096xf32>,
    %broadcast_in_dim3A = arith.constant -1073741825 : i32
    %broadcast_in_dim3A_16 = vector.broadcast %broadcast_in_dim3A : i32 to vector<256x1xi32>
    %broadcast_in_dim3A_17 = arith.constant 1073741824 : i32
    %broadcast_in_dim3A_18 = vector.broadcast %broadcast_in_dim3A_17 : i32 to vector<256x1xi32>
    %scan3A = arith.constant 0 : i32
    %scan3A_19 = arith.constant 32 : i32
    %scan3A_20 = arith.addi %scan3A, %scan3A_19 : i32
    %scan3A_21 = arith.constant 1 : i32
    %scan3A_22:2 = scf.for %scan3A_48 = %scan3A to %scan3A_20 step %scan3A_21 iter_args(%scan3A_49 = %broadcast_in_dim3A_16, %scan3A_50 = %broadcast_in_dim3A_18) -> (vector<256x1xi32>, vector<256x1xi32>)  : i32 {
      %shift_right_arithmetic3A_51 = arith.constant 1 : i32
      %shift_right_arithmetic3A_52 = vector.broadcast %shift_right_arithmetic3A_51 : i32 to vector<256x1xi32>
      %shift_right_arithmetic3A_53 = arith.shrsi %scan3A_49, %shift_right_arithmetic3A_52 : vector<256x1xi32>
      %shift_right_arithmetic3A_54 = arith.constant 1 : i32
      %shift_right_arithmetic3A_55 = vector.broadcast %shift_right_arithmetic3A_54 : i32 to vector<256x1xi32>
      %shift_right_arithmetic3A_56 = arith.shrsi %scan3A_50, %shift_right_arithmetic3A_55 : vector<256x1xi32>
      %add3A_57 = arith.addi %shift_right_arithmetic3A_53, %shift_right_arithmetic3A_56 : vector<256x1xi32>
      %and3A_58 = arith.andi %scan3A_49, %scan3A_50 : vector<256x1xi32>
      %and3A_59 = arith.constant 1 : i32
      %and3A_60 = vector.broadcast %and3A_59 : i32 to vector<256x1xi32>
      %and3A_61 = arith.andi %and3A_58, %and3A_60 : vector<256x1xi32>
      %add3A_62 = arith.addi %add3A_57, %and3A_61 : vector<256x1xi32>
      %shift_right_arithmetic3A_63 = arith.constant 31 : i32
      %shift_right_arithmetic3A_64 = vector.broadcast %shift_right_arithmetic3A_63 : i32 to vector<256x1xi32>
      %shift_right_arithmetic3A_65 = arith.shrsi %add3A_62, %shift_right_arithmetic3A_64 : vector<256x1xi32>
      %and3A_66 = arith.constant 2147483647 : i32
      %and3A_67 = vector.broadcast %and3A_66 : i32 to vector<256x1xi32>
      %and3A_68 = arith.andi %shift_right_arithmetic3A_65, %and3A_67 : vector<256x1xi32>
      %xor3A_69 = arith.xori %add3A_62, %and3A_68 : vector<256x1xi32>
      %bitcast_convert_type3A_70 = tpu.bitcast %xor3A_69 : vector<256x1xi32> -> vector<256x1xf32>
      %get3A_71 = arith.constant 0 : index
      %get3A_72 = arith.constant 0 : index
      %get3A_73 = vector.load %arg6[%get3A_71, %get3A_72] : memref<256x4096xf32, #tpu.memory_space<vmem>>, vector<256x4096xf32>
      %gt3A = vector.broadcast %bitcast_convert_type3A_70 : vector<256x1xf32> to vector<256x4096xf32>
      %gt3A_74 = arith.cmpf ogt, %get3A_73, %gt3A : vector<256x4096xf32>
      %jit3A_75 = arith.constant 1 : i32
      %jit3A_76 = arith.constant 0 : i32
      %broadcast_in_dim3A_77 = vector.broadcast %jit3A_75 : i32 to vector<256x4096xi32>
      %broadcast_in_dim3A_78 = vector.broadcast %jit3A_76 : i32 to vector<256x4096xi32>
      %select_n3A_79 = arith.select %gt3A_74, %broadcast_in_dim3A_77, %broadcast_in_dim3A_78 : vector<256x4096xi1>, vector<256x4096xi32>
      %reduce_sum3A_80 = arith.constant dense<0> : vector<256xi32>
      %reduce_sum3A_81 = vector.multi_reduction <add>, %select_n3A_79, %reduce_sum3A_80 [1] : vector<256x4096xi32> to vector<256xi32>
      %broadcast_in_dim3A_82 = vector.shape_cast %reduce_sum3A_81 : vector<256xi32> to vector<256x1xi32>
      %ge3A_83 = arith.constant 50 : i32
      %ge3A_84 = vector.broadcast %ge3A_83 : i32 to vector<256x1xi32>
      %ge3A_85 = arith.cmpi sge, %broadcast_in_dim3A_82, %ge3A_84 : vector<256x1xi32>
      %select_n3A_86 = arith.select %ge3A_85, %add3A_62, %scan3A_49 : vector<256x1xi1>, vector<256x1xi32>
      %select_n3A_87 = arith.select %ge3A_85, %scan3A_50, %add3A_62 : vector<256x1xi1>, vector<256x1xi32>
      scf.yield %select_n3A_86, %select_n3A_87 : vector<256x1xi32>, vector<256x1xi32>
    }
    %shift_right_arithmetic3A = arith.constant 31 : i32
    %shift_right_arithmetic3A_23 = vector.broadcast %shift_right_arithmetic3A : i32 to vector<256x1xi32>
    %shift_right_arithmetic3A_24 = arith.shrsi %scan3A_22#1, %shift_right_arithmetic3A_23 : vector<256x1xi32>
    %and3A = arith.constant 2147483647 : i32
    %and3A_25 = vector.broadcast %and3A : i32 to vector<256x1xi32>
    %and3A_26 = arith.andi %shift_right_arithmetic3A_24, %and3A_25 : vector<256x1xi32>
    %xor3A = arith.xori %scan3A_22#1, %and3A_26 : vector<256x1xi32>
    %bitcast_convert_type3A = tpu.bitcast %xor3A : vector<256x1xi32> -> vector<256x1xf32>
    %get3A_27 = arith.constant 0 : index
    %get3A_28 = arith.constant 0 : index
    %get3A_29 = vector.load %arg6[%get3A_27, %get3A_28] : memref<256x4096xf32, #tpu.memory_space<vmem>>, vector<256x4096xf32>
    %ge3A = vector.broadcast %bitcast_convert_type3A : vector<256x1xf32> to vector<256x4096xf32>
    %ge3A_30 = arith.cmpf oge, %get3A_29, %ge3A : vector<256x4096xf32>
    %jit3A = arith.constant 0.000000e+00 : f32
    %broadcast_in_dim3A_31 = vector.broadcast %jit3A : f32 to vector<256x4096xf32>
    %select_n3A = arith.select %ge3A_30, %get3A_29, %broadcast_in_dim3A_31 : vector<256x4096xi1>, vector<256x4096xf32>
    %swap3A_32 = arith.constant 0 : index
    %swap3A_33 = arith.constant 0 : index
    %swap3A_34 = vector.load %arg3[%swap3A_32, %swap3A_33] : memref<256x4096xf32, #tpu.memory_space<vmem>>, vector<256x4096xf32>
    tpu.vector_store %arg3[%swap3A_32, %swap3A_33], %select_n3A {strides = array<i32>} : memref<256x4096xf32, #tpu.memory_space<vmem>>, vector<256x4096xf32>,
    %reduce_sum3A = arith.constant dense<0.000000e+00> : vector<256xf32>
    %reduce_sum3A_35 = vector.multi_reduction <add>, %select_n3A, %reduce_sum3A [1] : vector<256x4096xf32> to vector<256xf32>
    %broadcast_in_dim3A_36 = vector.shape_cast %reduce_sum3A_35 : vector<256xf32> to vector<256x1xf32>
    %swap3A_37 = arith.constant 0 : index
    %swap3A_38 = arith.constant 0 : index
    %swap3A_39 = vector.load %arg4[%swap3A_37, %swap3A_38] : memref<256x1xf32, #tpu.memory_space<vmem>>, vector<256x1xf32>
    tpu.vector_store %arg4[%swap3A_37, %swap3A_38], %broadcast_in_dim3A_36 {strides = array<i32>} : memref<256x1xf32, #tpu.memory_space<vmem>>, vector<256x1xf32>,
    %reduce_sum3A_40 = arith.constant dense<0.000000e+00> : vector<4096xf32>
    %reduce_sum3A_41 = vector.multi_reduction <add>, %select_n3A, %reduce_sum3A_40 [0] : vector<256x4096xf32> to vector<4096xf32>
    %broadcast_in_dim3A_42 = vector.shape_cast %reduce_sum3A_41 : vector<4096xf32> to vector<1x4096xf32>
    %broadcast_in_dim3A_43 = vector.shape_cast %broadcast_in_dim3A_42 : vector<1x4096xf32> to vector<1x1x4096xf32>
    %swap3A_44 = arith.constant 0 : index
    %swap3A_45 = arith.constant 0 : index
    %swap3A_46 = arith.constant 0 : index
    %swap3A_47 = vector.load %arg5[%swap3A_44, %swap3A_45, %swap3A_46] : memref<1x1x4096xf32, #tpu.memory_space<vmem>>, vector<1x1x4096xf32>
    tpu.vector_store %arg5[%swap3A_44, %swap3A_45, %swap3A_46], %broadcast_in_dim3A_43 {strides = array<i32>} : memref<1x1x4096xf32, #tpu.memory_space<vmem>>, vector<1x1x4096xf32>,
    return
  }
  func.func @transform_0(%arg0: i32) -> (i32, i32) {
    %c0_i32 = arith.constant 0 : i32
    %c0_i32_0 = arith.constant 0 : i32
    return %arg0, %c0_i32 : i32, i32
  }
  func.func @transform_1(%arg0: i32) -> (i32, i32) {
    %c0_i32 = arith.constant 0 : i32
    %c0_i32_0 = arith.constant 0 : i32
    %c0_i32_1 = arith.constant 0 : i32
    return %c0_i32, %c0_i32_0 : i32, i32
  }
  func.func @transform_2(%arg0: i32) -> (i32, i32) {
    %c0_i32 = arith.constant 0 : i32
    %c0_i32_0 = arith.constant 0 : i32
    return %arg0, %c0_i32 : i32, i32
  }
  func.func @transform_3(%arg0: i32) -> (i32, i32) {
    %c0_i32 = arith.constant 0 : i32
    %c0_i32_0 = arith.constant 0 : i32
    return %arg0, %c0_i32 : i32, i32
  }
  func.func @transform_4(%arg0: i32) -> (i32, i32, i32) {
    %c0_i32 = arith.constant 0 : i32
    %c0_i32_0 = arith.constant 0 : i32
    %c0_i32_1 = arith.constant 0 : i32
    return %arg0, %c0_i32, %c0_i32_0 : i32, i32, i32
  }
}

module attributes {stable_mosaic.version = 14 : i64} {
  func.func @_rsden_kernel(%arg0: memref<4096x1xf32, #tpu.memory_space<vmem>>, %arg1: memref<4096x1xf32, #tpu.memory_space<vmem>>, %arg2: memref<16x1x4096xf32, #tpu.memory_space<vmem>>, %arg3: memref<1x1xf32, #tpu.memory_space<vmem>>, %arg4: memref<4096x1xf32, #tpu.memory_space<vmem>>) attributes {dimension_semantics = [], scalar_prefetch = 0 : i64, scratch_operands = 0 : i64, tpu.core_type = #tpu.core_type<tc>} {
    %get3A = arith.constant 0 : index
    %get3A_0 = arith.constant 0 : index
    %get3A_1 = arith.constant 0 : index
    %get3A_2 = vector.load %arg2[%get3A, %get3A_0, %get3A_1] : memref<16x1x4096xf32, #tpu.memory_space<vmem>>, vector<16x1x4096xf32>
    %reduce_sum3A = arith.constant dense<0.000000e+00> : vector<1x4096xf32>
    %reduce_sum3A_3 = vector.multi_reduction <add>, %get3A_2, %reduce_sum3A [0] : vector<16x1x4096xf32> to vector<1x4096xf32>
    %get3A_4 = arith.constant 0 : index
    %get3A_5 = arith.constant 0 : index
    %get3A_6 = vector.load %arg3[%get3A_4, %get3A_5] : memref<1x1xf32, #tpu.memory_space<vmem>>, vector<1x1xf32>
    %dot_general3A = arith.constant dense<0.000000e+00> : vector<4096x1xf32>
    %dot_general3A_7 = tpu.matmul %reduce_sum3A_3, %get3A_6, %dot_general3A {dimension_numbers = #tpu.dot_dimension_numbers<[0], [0], [1], [1], [0, 1, 1, 1], [], []>, precision = #tpu.contract_precision<fp32>, transpose_lhs_hint = false} : vector<1x4096xf32>, vector<1x1xf32>, vector<4096x1xf32> -> vector<4096x1xf32>
    %get3A_8 = arith.constant 0 : index
    %get3A_9 = arith.constant 0 : index
    %get3A_10 = vector.load %arg0[%get3A_8, %get3A_9] : memref<4096x1xf32, #tpu.memory_space<vmem>>, vector<4096x1xf32>
    %mul3A = arith.constant 5.000000e-01 : f32
    %mul3A_11 = vector.broadcast %mul3A : f32 to vector<4096x1xf32>
    %mul3A_12 = arith.mulf %mul3A_11, %get3A_10 : vector<4096x1xf32>
    %get3A_13 = arith.constant 0 : index
    %get3A_14 = arith.constant 0 : index
    %get3A_15 = vector.load %arg1[%get3A_13, %get3A_14] : memref<4096x1xf32, #tpu.memory_space<vmem>>, vector<4096x1xf32>
    %add3A = arith.addf %get3A_15, %dot_general3A_7 : vector<4096x1xf32>
    %mul3A_16 = arith.mulf %mul3A_12, %add3A : vector<4096x1xf32>
    %abs3A = math.absf %mul3A_16 : vector<4096x1xf32>
    %gt3A = arith.constant 9.99999996E-13 : f32
    %gt3A_17 = vector.broadcast %gt3A : f32 to vector<4096x1xf32>
    %gt3A_18 = arith.cmpf ogt, %abs3A, %gt3A_17 : vector<4096x1xf32>
    %jit3A = arith.constant 1.000000e+00 : f32
    %broadcast_in_dim3A = vector.broadcast %jit3A : f32 to vector<4096x1xf32>
    %select_n3A = arith.select %gt3A_18, %mul3A_16, %broadcast_in_dim3A : vector<4096x1xi1>, vector<4096x1xf32>
    %swap3A = arith.constant 0 : index
    %swap3A_19 = arith.constant 0 : index
    %swap3A_20 = vector.load %arg4[%swap3A, %swap3A_19] : memref<4096x1xf32, #tpu.memory_space<vmem>>, vector<4096x1xf32>
    tpu.vector_store %arg4[%swap3A, %swap3A_19], %select_n3A {strides = array<i32>} : memref<4096x1xf32, #tpu.memory_space<vmem>>, vector<4096x1xf32>,
    return
  }
}

module attributes {stable_mosaic.version = 14 : i64} {
  func.func @_asm_kernel(%arg0: i32, %arg1: i32, %arg2: memref<256x256xf32, #tpu.memory_space<vmem>>, %arg3: memref<256x256xf32, #tpu.memory_space<vmem>>, %arg4: memref<256x256xf32, #tpu.memory_space<vmem>>, %arg5: memref<256x1xf32, #tpu.memory_space<vmem>>, %arg6: memref<256x1xf32, #tpu.memory_space<vmem>>, %arg7: memref<256x256xf32, #tpu.memory_space<vmem>>, %arg8: memref<256x256xf32, #tpu.memory_space<vmem>>, %arg9: memref<256x1xf32, #tpu.memory_space<vmem>>, %arg10: memref<256x1xf32, #tpu.memory_space<vmem>>) attributes {dimension_semantics = [#tpu.dimension_semantics<arbitrary>, #tpu.dimension_semantics<arbitrary>], iteration_bounds = array<i64: 16, 16>, scalar_prefetch = 0 : i64, scratch_operands = 1 : i64, tpu.core_type = #tpu.core_type<tc>, window_params = [{transform_indices = @transform_0, window_bounds = array<i64: 256, 256>}, {transform_indices = @transform_1, window_bounds = array<i64: 256, 256>}, {transform_indices = @transform_2, window_bounds = array<i64: 256, 256>}, {transform_indices = @transform_3, window_bounds = array<i64: 256, 1>}, {transform_indices = @transform_4, window_bounds = array<i64: 256, 1>}, {transform_indices = @transform_5, window_bounds = array<i64: 256, 256>}, {transform_indices = @transform_6, window_bounds = array<i64: 256, 256>}, {transform_indices = @transform_7, window_bounds = array<i64: 256, 1>}]} {
    %get3A = arith.constant 0 : index
    %get3A_0 = arith.constant 0 : index
    %get3A_1 = vector.load %arg2[%get3A, %get3A_0] : memref<256x256xf32, #tpu.memory_space<vmem>>, vector<256x256xf32>
    %get3A_2 = arith.constant 0 : index
    %get3A_3 = arith.constant 0 : index
    %get3A_4 = vector.load %arg3[%get3A_2, %get3A_3] : memref<256x256xf32, #tpu.memory_space<vmem>>, vector<256x256xf32>
    %transpose3A = tpu.transpose %get3A_4, [1, 0] : vector<256x256xf32> -> vector<256x256xf32>
    %add3A = arith.addf %get3A_1, %transpose3A : vector<256x256xf32>
    %mul3A = arith.constant 5.000000e-01 : f32
    %mul3A_5 = vector.broadcast %mul3A : f32 to vector<256x256xf32>
    %mul3A_6 = arith.mulf %mul3A_5, %add3A : vector<256x256xf32>
    %get3A_7 = arith.constant 0 : index
    %get3A_8 = arith.constant 0 : index
    %get3A_9 = vector.load %arg5[%get3A_7, %get3A_8] : memref<256x1xf32, #tpu.memory_space<vmem>>, vector<256x1xf32>
    %mul3A_10 = vector.broadcast %get3A_9 : vector<256x1xf32> to vector<256x256xf32>
    %mul3A_11 = arith.mulf %mul3A_6, %mul3A_10 : vector<256x256xf32>
    %get3A_12 = arith.constant 0 : index
    %get3A_13 = arith.constant 0 : index
    %get3A_14 = vector.load %arg6[%get3A_12, %get3A_13] : memref<256x1xf32, #tpu.memory_space<vmem>>, vector<256x1xf32>
    %div3A = vector.broadcast %get3A_14 : vector<256x1xf32> to vector<256x256xf32>
    %div3A_15 = arith.divf %mul3A_11, %div3A : vector<256x256xf32>
    %get3A_16 = arith.constant 0 : index
    %get3A_17 = arith.constant 0 : index
    %get3A_18 = vector.load %arg4[%get3A_16, %get3A_17] : memref<256x256xf32, #tpu.memory_space<vmem>>, vector<256x256xf32>
    %add3A_19 = arith.addf %div3A_15, %get3A_18 : vector<256x256xf32>
    %swap3A = arith.constant 0 : index
    %swap3A_20 = arith.constant 0 : index
    %swap3A_21 = vector.load %arg7[%swap3A, %swap3A_20] : memref<256x256xf32, #tpu.memory_space<vmem>>, vector<256x256xf32>
    tpu.vector_store %arg7[%swap3A, %swap3A_20], %div3A_15 {strides = array<i32>} : memref<256x256xf32, #tpu.memory_space<vmem>>, vector<256x256xf32>,
    %swap3A_22 = arith.constant 0 : index
    %swap3A_23 = arith.constant 0 : index
    %swap3A_24 = vector.load %arg8[%swap3A_22, %swap3A_23] : memref<256x256xf32, #tpu.memory_space<vmem>>, vector<256x256xf32>
    tpu.vector_store %arg8[%swap3A_22, %swap3A_23], %add3A_19 {strides = array<i32>} : memref<256x256xf32, #tpu.memory_space<vmem>>, vector<256x256xf32>,
    %eq3A = arith.constant 0 : i32
    %eq3A_25 = arith.cmpi eq, %arg1, %eq3A : i32
    %convert_element_type3A = arith.extui %eq3A_25 : i1 to i32
    %cond3A = arith.constant 0 : i32
    %cond3A_26 = arith.cmpi ne, %convert_element_type3A, %cond3A : i32
    scf.if %cond3A_26 {
      %broadcast_in_dim3A_40 = arith.constant 0.000000e+00 : f32
      %broadcast_in_dim3A_41 = vector.broadcast %broadcast_in_dim3A_40 : f32 to vector<256x1xf32>
      %swap3A_42 = arith.constant 0 : index
      %swap3A_43 = arith.constant 0 : index
      %swap3A_44 = vector.load %arg10[%swap3A_42, %swap3A_43] : memref<256x1xf32, #tpu.memory_space<vmem>>, vector<256x1xf32>
      tpu.vector_store %arg10[%swap3A_42, %swap3A_43], %broadcast_in_dim3A_41 {strides = array<i32>} : memref<256x1xf32, #tpu.memory_space<vmem>>, vector<256x1xf32>,
    } else {
    }
    %get3A_27 = arith.constant 0 : index
    %get3A_28 = arith.constant 0 : index
    %get3A_29 = vector.load %arg10[%get3A_27, %get3A_28] : memref<256x1xf32, #tpu.memory_space<vmem>>, vector<256x1xf32>
    %reduce_sum3A = arith.constant dense<0.000000e+00> : vector<256xf32>
    %reduce_sum3A_30 = vector.multi_reduction <add>, %add3A_19, %reduce_sum3A [1] : vector<256x256xf32> to vector<256xf32>
    %broadcast_in_dim3A = vector.shape_cast %reduce_sum3A_30 : vector<256xf32> to vector<256x1xf32>
    %add3A_31 = arith.addf %get3A_29, %broadcast_in_dim3A : vector<256x1xf32>
    %swap3A_32 = arith.constant 0 : index
    %swap3A_33 = arith.constant 0 : index
    %swap3A_34 = vector.load %arg10[%swap3A_32, %swap3A_33] : memref<256x1xf32, #tpu.memory_space<vmem>>, vector<256x1xf32>
    tpu.vector_store %arg10[%swap3A_32, %swap3A_33], %add3A_31 {strides = array<i32>} : memref<256x1xf32, #tpu.memory_space<vmem>>, vector<256x1xf32>,
    %eq3A_35 = arith.constant 15 : i32
    %eq3A_36 = arith.cmpi eq, %arg1, %eq3A_35 : i32
    %convert_element_type3A_37 = arith.extui %eq3A_36 : i1 to i32
    %cond3A_38 = arith.constant 0 : i32
    %cond3A_39 = arith.cmpi ne, %convert_element_type3A_37, %cond3A_38 : i32
    scf.if %cond3A_39 {
      %get3A_40 = arith.constant 0 : index
      %get3A_41 = arith.constant 0 : index
      %get3A_42 = vector.load %arg10[%get3A_40, %get3A_41] : memref<256x1xf32, #tpu.memory_space<vmem>>, vector<256x1xf32>
      %gt3A = arith.constant 0.000000e+00 : f32
      %gt3A_43 = vector.broadcast %gt3A : f32 to vector<256x1xf32>
      %gt3A_44 = arith.cmpf ogt, %get3A_42, %gt3A_43 : vector<256x1xf32>
      %max3A = arith.constant 9.99999996E-13 : f32
      %max3A_45 = vector.broadcast %max3A : f32 to vector<256x1xf32>
      %max3A_46 = arith.maximumf %get3A_42, %max3A_45 : vector<256x1xf32>
      %rsqrt3A = math.rsqrt %max3A_46 : vector<256x1xf32>
      %jit3A = arith.constant 0.000000e+00 : f32
      %broadcast_in_dim3A_47 = vector.broadcast %jit3A : f32 to vector<256x1xf32>
      %select_n3A = arith.select %gt3A_44, %rsqrt3A, %broadcast_in_dim3A_47 : vector<256x1xi1>, vector<256x1xf32>
      %swap3A_48 = arith.constant 0 : index
      %swap3A_49 = arith.constant 0 : index
      %swap3A_50 = vector.load %arg9[%swap3A_48, %swap3A_49] : memref<256x1xf32, #tpu.memory_space<vmem>>, vector<256x1xf32>
      tpu.vector_store %arg9[%swap3A_48, %swap3A_49], %select_n3A {strides = array<i32>} : memref<256x1xf32, #tpu.memory_space<vmem>>, vector<256x1xf32>,
    } else {
    }
    return
  }
  func.func @transform_0(%arg0: i32, %arg1: i32) -> (i32, i32) {
    %c0_i32 = arith.constant 0 : i32
    return %arg0, %arg1 : i32, i32
  }
  func.func @transform_1(%arg0: i32, %arg1: i32) -> (i32, i32) {
    %c0_i32 = arith.constant 0 : i32
    return %arg1, %arg0 : i32, i32
  }
  func.func @transform_2(%arg0: i32, %arg1: i32) -> (i32, i32) {
    %c0_i32 = arith.constant 0 : i32
    return %arg0, %arg1 : i32, i32
  }
  func.func @transform_3(%arg0: i32, %arg1: i32) -> (i32, i32) {
    %c0_i32 = arith.constant 0 : i32
    %c0_i32_0 = arith.constant 0 : i32
    return %arg0, %c0_i32 : i32, i32
  }
  func.func @transform_4(%arg0: i32, %arg1: i32) -> (i32, i32) {
    %c0_i32 = arith.constant 0 : i32
    %c0_i32_0 = arith.constant 0 : i32
    return %arg0, %c0_i32 : i32, i32
  }
  func.func @transform_5(%arg0: i32, %arg1: i32) -> (i32, i32) {
    %c0_i32 = arith.constant 0 : i32
    return %arg0, %arg1 : i32, i32
  }
  func.func @transform_6(%arg0: i32, %arg1: i32) -> (i32, i32) {
    %c0_i32 = arith.constant 0 : i32
    return %arg0, %arg1 : i32, i32
  }
  func.func @transform_7(%arg0: i32, %arg1: i32) -> (i32, i32) {
    %c0_i32 = arith.constant 0 : i32
    %c0_i32_0 = arith.constant 0 : i32
    return %arg0, %c0_i32 : i32, i32
  }
}

module attributes {stable_mosaic.version = 14 : i64} {
  func.func @_prop_kernel(%arg0: i32, %arg1: memref<256x4096xf32, #tpu.memory_space<vmem>>, %arg2: memref<4096x128xf32, #tpu.memory_space<vmem>>, %arg3: memref<128x64xf32, #tpu.memory_space<vmem>>, %arg4: memref<256x1xf32, #tpu.memory_space<vmem>>, %arg5: memref<1x4096xf32, #tpu.memory_space<vmem>>, %arg6: memref<256x64xf32, #tpu.memory_space<vmem>>, %arg7: memref<4096x64xf32, #tpu.memory_space<vmem>>) attributes {dimension_semantics = [#tpu.dimension_semantics<arbitrary>], iteration_bounds = array<i64: 16>, scalar_prefetch = 0 : i64, scratch_operands = 1 : i64, tpu.core_type = #tpu.core_type<tc>, window_params = [{transform_indices = @transform_0, window_bounds = array<i64: 256, 4096>}, {pipeline_mode = #tpu.pipeline_mode<synchronous>, transform_indices = @transform_1, window_bounds = array<i64: 4096, 128>}, {pipeline_mode = #tpu.pipeline_mode<synchronous>, transform_indices = @transform_2, window_bounds = array<i64: 128, 64>}, {transform_indices = @transform_3, window_bounds = array<i64: 256, 1>}, {pipeline_mode = #tpu.pipeline_mode<synchronous>, transform_indices = @transform_4, window_bounds = array<i64: 1, 4096>}, {transform_indices = @transform_5, window_bounds = array<i64: 256, 64>}]} {
    %eq3A = arith.constant 0 : i32
    %eq3A_0 = arith.cmpi eq, %arg0, %eq3A : i32
    %convert_element_type3A = arith.extui %eq3A_0 : i1 to i32
    %cond3A = arith.constant 0 : i32
    %cond3A_1 = arith.cmpi ne, %convert_element_type3A, %cond3A : i32
    scf.if %cond3A_1 {
      %get3A_19 = arith.constant 0 : index
      %get3A_20 = arith.constant 0 : index
      %get3A_21 = vector.load %arg2[%get3A_19, %get3A_20] : memref<4096x128xf32, #tpu.memory_space<vmem>>, vector<4096x128xf32>
      %get3A_22 = arith.constant 0 : index
      %get3A_23 = arith.constant 0 : index
      %get3A_24 = vector.load %arg3[%get3A_22, %get3A_23] : memref<128x64xf32, #tpu.memory_space<vmem>>, vector<128x64xf32>
      %dot_general3A_25 = arith.constant dense<0.000000e+00> : vector<4096x64xf32>
      %dot_general3A_26 = tpu.matmul %get3A_21, %get3A_24, %dot_general3A_25 {dimension_numbers = #tpu.dot_dimension_numbers<[1], [0], [0], [1], [0, 0, 1, 1], [], []>, transpose_lhs_hint = false} : vector<4096x128xf32>, vector<128x64xf32>, vector<4096x64xf32> -> vector<4096x64xf32>
      %swap3A_27 = arith.constant 0 : index
      %swap3A_28 = arith.constant 0 : index
      %swap3A_29 = vector.load %arg7[%swap3A_27, %swap3A_28] : memref<4096x64xf32, #tpu.memory_space<vmem>>, vector<4096x64xf32>
      tpu.vector_store %arg7[%swap3A_27, %swap3A_28], %dot_general3A_26 {strides = array<i32>} : memref<4096x64xf32, #tpu.memory_space<vmem>>, vector<4096x64xf32>,
    } else {
    }
    %get3A = arith.constant 0 : index
    %get3A_2 = arith.constant 0 : index
    %get3A_3 = vector.load %arg4[%get3A, %get3A_2] : memref<256x1xf32, #tpu.memory_space<vmem>>, vector<256x1xf32>
    %get3A_4 = arith.constant 0 : index
    %get3A_5 = arith.constant 0 : index
    %get3A_6 = vector.load %arg1[%get3A_4, %get3A_5] : memref<256x4096xf32, #tpu.memory_space<vmem>>, vector<256x4096xf32>
    %mul3A = vector.broadcast %get3A_3 : vector<256x1xf32> to vector<256x4096xf32>
    %mul3A_7 = arith.mulf %mul3A, %get3A_6 : vector<256x4096xf32>
    %get3A_8 = arith.constant 0 : index
    %get3A_9 = arith.constant 0 : index
    %get3A_10 = vector.load %arg5[%get3A_8, %get3A_9] : memref<1x4096xf32, #tpu.memory_space<vmem>>, vector<1x4096xf32>
    %mul3A_11 = vector.broadcast %get3A_10 : vector<1x4096xf32> to vector<256x4096xf32>
    %mul3A_12 = arith.mulf %mul3A_7, %mul3A_11 : vector<256x4096xf32>
    %get3A_13 = arith.constant 0 : index
    %get3A_14 = arith.constant 0 : index
    %get3A_15 = vector.load %arg7[%get3A_13, %get3A_14] : memref<4096x64xf32, #tpu.memory_space<vmem>>, vector<4096x64xf32>
    %dot_general3A = arith.constant dense<0.000000e+00> : vector<256x64xf32>
    %dot_general3A_16 = tpu.matmul %mul3A_12, %get3A_15, %dot_general3A {dimension_numbers = #tpu.dot_dimension_numbers<[1], [0], [0], [1], [0, 0, 1, 1], [], []>, transpose_lhs_hint = false} : vector<256x4096xf32>, vector<4096x64xf32>, vector<256x64xf32> -> vector<256x64xf32>
    %swap3A = arith.constant 0 : index
    %swap3A_17 = arith.constant 0 : index
    %swap3A_18 = vector.load %arg6[%swap3A, %swap3A_17] : memref<256x64xf32, #tpu.memory_space<vmem>>, vector<256x64xf32>
    tpu.vector_store %arg6[%swap3A, %swap3A_17], %dot_general3A_16 {strides = array<i32>} : memref<256x64xf32, #tpu.memory_space<vmem>>, vector<256x64xf32>,
    return
  }
  func.func @transform_0(%arg0: i32) -> (i32, i32) {
    %c0_i32 = arith.constant 0 : i32
    %c0_i32_0 = arith.constant 0 : i32
    return %arg0, %c0_i32 : i32, i32
  }
  func.func @transform_1(%arg0: i32) -> (i32, i32) {
    %c0_i32 = arith.constant 0 : i32
    %c0_i32_0 = arith.constant 0 : i32
    %c0_i32_1 = arith.constant 0 : i32
    return %c0_i32, %c0_i32_0 : i32, i32
  }
  func.func @transform_2(%arg0: i32) -> (i32, i32) {
    %c0_i32 = arith.constant 0 : i32
    %c0_i32_0 = arith.constant 0 : i32
    %c0_i32_1 = arith.constant 0 : i32
    return %c0_i32, %c0_i32_0 : i32, i32
  }
  func.func @transform_3(%arg0: i32) -> (i32, i32) {
    %c0_i32 = arith.constant 0 : i32
    %c0_i32_0 = arith.constant 0 : i32
    return %arg0, %c0_i32 : i32, i32
  }
  func.func @transform_4(%arg0: i32) -> (i32, i32) {
    %c0_i32 = arith.constant 0 : i32
    %c0_i32_0 = arith.constant 0 : i32
    %c0_i32_1 = arith.constant 0 : i32
    return %c0_i32, %c0_i32_0 : i32, i32
  }
  func.func @transform_5(%arg0: i32) -> (i32, i32) {
    %c0_i32 = arith.constant 0 : i32
    %c0_i32_0 = arith.constant 0 : i32
    return %arg0, %c0_i32 : i32, i32
  }
}

</mosaic_0001>

<sc_bundles>
// kernel: kernel.11.cloned.1.call-start
scs
__scs_entry_jumppad:
0x0: {  	(pc) =	sbr.rel $0x88, $3  }
0x1: {  	(tag) =	ssettag $0x0;
	lr =	simm.s32 $0x1  }
0x2: {  	[smem:$0x3F9A] =	sst lr;
	_ =	strace $0xD0000000  }
0x3: {  	_ = 	snop  }
0x4: {  	_ = 	snop  }
0x5: {  	_ = 	snop  }
0x6: {  	_ = 	snop  }
0x7: {  	_ = 	snop  }
__scs_overlays_trampoline_lowered:
0x8: {  	[smem:$0x3FA9] =	sst s0  }
0x9: {  	[smem:$0x3FAA] =	sst s1  }
0xa: {  	[smem:$0x3FAB] =	sst s2  }
0xb: {  	[smem:$0x3FAC] =	sst s3  }
0xc: {  	[smem:$0x3FAD] =	sst s4  }
0xd: {  	[smem:$0x3FAE] =	sst s5  }
0xe: {  	[smem:$0x3FAF] =	sst s6  }
0xf: {  	[smem:$0x3FB0] =	sst s7  }
0x10: {  	[smem:$0x3FB1] =	sst s8  }
0x11: {  	[smem:$0x3FB2] =	sst s9;
	s0 =	simm.s32 @!p0 $0x0  }
0x12: {  	s1 =	sld [smem:$0x3F98];
	s0 =	simm.s32 @p0 $0x1  }
0x13: {  	[smem:$0x3FB3] =	sst s0;
	s0 =	simm.s32 @!p1 $0x0  }
0x14: {  	s2 =	sld [smem:$0x3F97];
	s0 =	simm.s32 @p1 $0x1  }
0x15: {  	[smem:$0x3FB4] =	sst s0;
	s0 =	simm.s32 @!p2 $0x0  }
0x16: {  	s3 =	sld [smem:$0x3FDB];
	s0 =	simm.s32 @p2 $0x1  }
0x17: {  	s4 =	simm.s32 $0x1BF5;
	[smem:$0x3FB6] =	sst s0  }
0x18: {  	s0 =	sld [smem:$0x3F99];
	_ =	swait.ge [sflag:s4], $0x0  }
0x19: {  	s7 =	sld [smem:$0x3F9A]  }
0x1a: {  	s8 =	sadd.s32 $0xFFFFE003, lr  }
0x1b: {  	s9 =	sadd.s32 $0xFFFFFEF7, lr;
	s5 =	simm.s32 $0xFFFFFFFF;
	p2 =	slt.u32 s8, $0xFFFFF086  }
0x1c: {  	p1 =	slt.u32 s9, $0xF7A;
	s5 =	simm.s32 @!p2 $0x0  }
0x1d: {  	s5 =	simm.s32 @p1 $0x1;
	p0 =	seq.s32 s7, s2  }
0x1e: {  	s7 =	smul.u32 @!p0 $0xF7A, s2;
	p2 =	seq.s32 @!p0 s5, $0x0  }
0x1f: {  	s9 =	smul.u32 $0xF7A, s1;
	s8 =	simm.s32 @!p0 $0x1BF5;
	p2 =	por !p2, p0  }
0x20: {  	[sflag:s8] =	ssyncset.s32 @!p0 $0xFFFFF086;
	s6 =	sadd.s32 @!p0 s3, s7;
	s7 =	simm.s32 @!p0 $0x108  }
0x21: {  	s3 =	sadd.s32 s3, s9;
	s6 =	sadd.s32 @!p0 $0x88, s6;
	s7 =	simm.s32 @p2 $0x1082  }
0x22: {  	[simem:s7], [sflag:s8] =	dma.local @!p0 [hbm:s6], $0xF7A  }
0x23: {  	s9 =	sor.u32 $0xD0000000, s2;
	s6 =	simm.s32 $0x108;
	_ =	swait.ge @!p0 [sflag:s8], $0x0  }
0x24: {  	s3 =	sadd.s32 $0x88, s3;
	s6 =	simm.s32 @!p1 $0x1082;
	[sflag:s4] =	ssyncset.s32 $0xFFFFF086  }
0x25: {  	[simem:s6], [sflag:s4] =	dma.local [hbm:s3], $0xF7A  }
0x26: {  	[smem:$0x3F9A] =	sst s1;
	(tag) =	ssettag s2;
	_ =	strace s9  }
0x27: {  	s1 =	sld [smem:$0x3FAA]  }
0x28: {  	s2 =	sld [smem:$0x3FAB]  }
0x29: {  	s4 =	sld [smem:$0x3FAD]  }
0x2a: {  	p0 =	seq.s32 s5, $0x0;
	s5 =	sld [smem:$0x3FAE]  }
0x2b: {  	s6 =	sld [smem:$0x3FAF]  }
0x2c: {  	s7 =	sld [smem:$0x3FB0]  }
0x2d: {  	s3 =	simm.s32 $0x108;
	s8 =	sld [smem:$0x3FB1]  }
0x2e: {  	s3 =	simm.s32 @!p0 $0x1082;
	s9 =	sld [smem:$0x3FB2]  }
0x2f: {  	lr =	sadd.s32 s0, s3;
	s0 =	sld [smem:$0x3FA9]  }
0x30: {  	s3 =	sld [smem:$0x3FAC]  }
0x31: {  	[smem:$0x3FB5] =	sst s10  }
0x32: {  	s10 =	sld [smem:$0x3FB3];
	_ =	sdelay $0x3  }
0x33: {  	p0 =	seq.s32 s10, $0x1;
	s10 =	sld [smem:$0x3FB5];
	_ =	sdelay $0x3  }
0x34: {  	[smem:$0x3FB5] =	sst s10  }
0x35: {  	s10 =	sld [smem:$0x3FB4];
	_ =	sdelay $0x3  }
0x36: {  	p1 =	seq.s32 s10, $0x1;
	s10 =	sld [smem:$0x3FB5];
	_ =	sdelay $0x3  }
0x37: {  	[smem:$0x3FB5] =	sst s10  }
0x38: {  	s10 =	sld [smem:$0x3FB6]  }
0x39: {  	_ = 	snop;
	(pc) =	sbr.ind lr, $3  }
0x3a: {  	_ = 	snop  }
0x3b: {  	_ = 	snop  }
0x3c: {  	p2 =	seq.s32 s10, $0x1;
	s10 =	sld [smem:$0x3FB5]  }
0x3d: {  	_ =	shalt  }
0x3e: {  	_ =	shalt  }
0x3f: {  	_ =	shalt  }
0x40: {  	_ =	shalt  }
0x41: {  	_ =	shalt  }
0x42: {  	_ =	shalt  }
0x43: {  	_ =	shalt  }
0x44: {  	_ =	shalt  }
0x45: {  	_ =	shalt  }
0x46: {  	_ =	shalt  }
0x47: {  	_ =	shalt  }
0x48: {  	_ =	shalt  }
0x49: {  	_ =	shalt  }
0x4a: {  	_ =	shalt  }
0x4b: {  	_ =	shalt  }
0x4c: {  	_ =	shalt  }
0x4d: {  	_ =	shalt  }
0x4e: {  	_ =	shalt  }
0x4f: {  	_ =	shalt  }
0x50: {  	_ =	shalt  }
0x51: {  	_ =	shalt  }
0x52: {  	_ =	shalt  }
0x53: {  	_ =	shalt  }
0x54: {  	_ =	shalt  }
0x55: {  	_ =	shalt  }
0x56: {  	_ =	shalt  }
0x57: {  	_ =	shalt  }
0x58: {  	_ =	shalt  }
0x59: {  	_ =	shalt  }
0x5a: {  	_ =	shalt  }
0x5b: {  	_ =	shalt  }
0x5c: {  	_ =	shalt  }
0x5d: {  	_ =	shalt  }
0x5e: {  	_ =	shalt  }
0x5f: {  	_ =	shalt  }
0x60: {  	_ =	shalt  }
0x61: {  	_ =	shalt  }
0x62: {  	_ =	shalt  }
0x63: {  	_ =	shalt  }
0x64: {  	_ =	shalt  }
0x65: {  	_ =	shalt  }
0x66: {  	_ =	shalt  }
0x67: {  	_ =	shalt  }
0x68: {  	_ =	shalt  }
0x69: {  	_ =	shalt  }
0x6a: {  	_ =	shalt  }
0x6b: {  	_ =	shalt  }
0x6c: {  	_ =	shalt  }
0x6d: {  	_ =	shalt  }
0x6e: {  	_ =	shalt  }
0x6f: {  	_ =	shalt  }
0x70: {  	_ =	shalt  }
0x71: {  	_ =	shalt  }
0x72: {  	_ =	shalt  }
0x73: {  	_ =	shalt  }
0x74: {  	_ =	shalt  }
0x75: {  	_ =	shalt  }
0x76: {  	_ =	shalt  }
0x77: {  	_ =	shalt  }
0x78: {  	_ =	shalt  }
0x79: {  	_ =	shalt  }
0x7a: {  	_ =	shalt  }
0x7b: {  	_ =	shalt  }
0x7c: {  	_ =	shalt  }
0x7d: {  	_ =	shalt  }
0x7e: {  	_ =	shalt  }
0x7f: {  	_ =	shalt  }
0x80: {  	_ =	shalt  }
0x81: {  	_ =	shalt  }
0x82: {  	_ =	shalt  }
0x83: {  	_ =	shalt  }
0x84: {  	_ =	shalt  }
0x85: {  	_ =	shalt  }
0x86: {  	_ =	shalt  }
0x87: {  	_ =	shalt  }
.Lfunc_end0:
.L_simem_size_0:
called_computation_lowered:
.L_overlay_start_0:
0x88: {  	s2 =	sld [smem:$0x3FD9]  }
0x89: {  	s3 =	sld [smem:$0x3FFE];
	_ =	sdelay $0x1  }
0x8a: {  	s1 =	srdreg.scid  }
0x8b: {  	s0 =	sand.u32 $0x1, s1  }
0x8c: {  	s14 =	sshll.u32 s0, $0xA;
	s2 =	sadd.s32 s3, s2  }
0x8d: {  	s2 =	sadd.s32 s2, s14  }
0x8e: {  	[smem:$0x3FC1] =	sst s2  }
0x8f: {  	_ = 	snop  }
0x90: {  	s2 =	sld [smem:$0x3FD0];
	_ =	sdelay $0x2  }
0x91: {  	s15 =	simm.s32 $0xA;
	s4 =	simm.s32 $0x10  }
0x92: {  	[smem:s4], [sflag:s15] =	dma.local [hbm:s2], $0x1  }
0x93: {  	_ =	swait.eq [sflag:s15], $0x1  }
0x94: {  	s16 =	sld [smem:$0x10];
	[sflag:s15] =	ssyncset.done $0x0  }
0x95: {  	s17 =	sld [smem:$0x11];
	[sflag:s15] =	ssyncadd.s32 $0xFFFFFFFF  }
0x96: {  	s18 =	sld [smem:$0x12];
	(tm) =	ssettm $0x1  }
0x97: {  	s5 =	sld [smem:$0x3FFB];
	_ =	sdelay $0x3  }
0x98: {  	_ =	strace s5  }
0x99: {  	s5 =	sld [smem:$0x3FFC];
	_ =	sdelay $0x3  }
0x9a: {  	_ =	strace s5  }
0x9b: {  	s5 =	sld [smem:$0x3FFD];
	_ =	sdelay $0x3  }
0x9c: {  	_ =	strace s5  }
0x9d: {  	_ =	strace $0x8FFFFFFF  }
0x9e: {  	s19 =	sld [smem:$0x3FDB];
	_ =	sdelay $0x1  }
0x9f: {  	s6 =	simm.s32 $_scs_section_size  }
0xa0: {  	s7 =	simm.s32 $_size__tile_overlayer_lowered;
	s8 =	simm.s32 $_tile_overlayer_lowered  }
0xa1: {  	s22 =	simm.s32 $0x1BFF;
	s21 =	sshll.u32 s8, $0x1;
	s5 =	sadd.s32 s6, s19  }
0xa2: {  	s9 =	simm.s32 $0x0;
	s20 =	sshll.u32 s7, $0x1;
	s7 =	sadd.s32 s21, s5  }
0xa3: {  	[timem:s9], [sflag:s22] =	dma.local [hbm:s7], s20  }
0xa4: {  	_ =	swait.ge [sflag:s22], s20  }
0xa5: {  	s6 =	ssub.s32 $0x0, s20;
	[sflag:s22] =	ssyncset.done $0x0  }
0xa6: {  	[sflag:s22] =	ssyncadd.s32 s6;
	_ =	sdelay $0x1  }
0xa7: {  	s23 =	simm.s32 $0x1B8B  }
0xa8: {  	_ =	swait.ge [sflag:s23], $0x1  }
0xa9: {  	[sflag:s23] =	ssyncset.done $0x0  }
0xaa: {  	s25 =	simm.s32 $0x1B8E;
	s24 =	sld [smem:$0x3FFE];
	[sflag:s23] =	ssyncadd.s32 $0xFFFFFFFF  }
0xab: {  	s26 =	simm.s32 $execute0_lowered;
	[smem:$0x3FD2] =	sst s25  }
0xac: {  	s7 =	sshll.u32 s26, $0x1;
	_ =	strace $0x80000046;
	[dreg:$0x1] =	wrdreg $0xFFFFFFFF  }
0xad: {  	s28 =	simm.s32 $_size_execute0_lowered;
	s5 =	sadd.s32 s5, s7;
	[dreg:$0x0] =	wrdreg $0x0  }
0xae: {  	s7 =	sshll.u32 s28, $0x1;
	[dreg:$0x2] =	wrdreg s5  }
0xaf: {  	[dreg:$0x3] =	wrdreg s7  }
0xb0: {  	[dreg:$0x4] =	wrdreg $0xC0  }
0xb1: {  	_ =	task [dreg:s9], $0x5FFFF  }
0xb2: {  	[dreg:$0x1] =	wrdreg $0xFFFFFFFF  }
0xb3: {  	[dreg:$0x0] =	wrdreg $0x60  }
0xb4: {  	[dreg:$0x2] =	wrdreg s17  }
0xb5: {  	[dreg:$0x3] =	wrdreg s16  }
0xb6: {  	[dreg:$0x4] =	wrdreg s18  }
0xb7: {  	[dreg:$0x5] =	wrdreg s24  }
0xb8: {  	[dreg:$0x6] =	wrdreg $0x1E0000  }
0xb9: {  	[dreg:$0x7] =	wrdreg $0xE0000  }
0xba: {  	[dreg:$0x8] =	wrdreg $0x9  }
0xbb: {  	_ =	task.clear_ibuf [dreg:s9], $0x9FFFF;
	_ =	strace $0x90000046  }
0xbc: {  	s29 =	simm.s32 $0x9;
	_ =	strace $0x80000048  }
0xbd: {  	_ =	swait.ge [sflag:s29], $0x1  }
0xbe: {  	[sflag:s29] =	ssyncadd.s32 $0xFFFFFFFF  }
0xbf: {  	_ =	strace $0x90000048  }
0xc0: {  	_ =	sfence  }
0xc1: {  	s30 =	sld [smem:$0x0];
	_ =	sdelay $0x2  }
0xc2: {  	s31 =	sshll.u32 s1, $0xD;
	s1 =	sshrl.u32 s1, $0x2  }
0xc3: {  	s3 =	sand.u32 $0x4000, s31;
	s1 =	sadd.s32 s1, s30  }
0xc4: {  	s0 =	sor.u32 s3, s0;
	s1 =	sshll.u32 s1, $0x11  }
0xc5: {  	s0 =	sor.u32 s1, s0  }
0xc6: {  	s0 =	sadd.s32 $0x8F2B, s0  }
0xc7: {  	[sflag:s0] =	ssyncadd.remote.s32 $0x1  }
0xc8: {  	_ =	sfence.sel $0xFFFF  }
0xc9: {  	[dreg:$0x0] =	wrdreg $0xFFFFFFFF;
	(pc) =	sbr.abs _section_cstart, $3  }
0xca: {  	[dreg:$0x1] =	wrdreg $0xFFFFFFFF  }
0xcb: {  	_ =	task.clear_ibuf [dreg:s9], $0x2FFFF;
	_ =	strace $0x9FFFFFFF  }
0xcc: {  	(tm) =	ssettm $0x7FFFFFFF  }
0xcd: {  	_ =	shalt  }
tec
execute0_lowered:
.L_overlay_start_1:
0x0: {  	(tag) =	ssettag $0x1  }
0x1: {  	s7 =	rddreg [dreg:$0x0]  }
0x2: {  	s8 =	rddreg [dreg:$0x1]  }
0x3: {  	s1 =	rddreg [dreg:$0x2]  }
0x4: {  	s6 =	rddreg [dreg:$0x3]  }
0x5: {  	s2 =	rddreg [dreg:$0x4]  }
0x6: {  	s3 =	rddreg [dreg:$0x5]  }
0x7: {  	s0 =	rddreg [dreg:$0x6]  }
0x8: {  	s4 =	simm.s32 $0x0;
	s5 =	srdreg.scid;
	s18 =	simm.s32 $0x1  }
0x9: {  	s19 =	simm.s32 $0x2000;
	s20 =	simm.s32 $0xA000;
	s22 =	simm.s32 $0x6000  }
0xa: {  	s23 =	simm.s32 $0x0;
	[smem:$0x7FF] =	sst s4;
	s13 =	sand.u32 $0x1, s5  }
0xb: {  	s5 =	stileid.u32;
	_ =	strace $0x80000047;
	s9 =	ssub.s32 $0x2, s13  }
0xc: {  	s10 =	sshll.u32 s13, $0x8;
	s30 =	sshll.u32 s5, $0xA;
	s31 =	sshll.u32 s5, $0x7  }
0xd: {  	s21 =	sshll.u32 s13, $0xB;
	s13 =	sshll.u32 s13, $0x17;
	p0 =	sne.s32 s5, $0x0  }
0xe: {  	s11 =	sshrl.u32 s9, $0x1;
	s12 =	sadd.s32 s10, s6;
	s6 =	sshll.u32 s5, $0xD  }
0xf: {  	s7 =	sadd.s32 s7, s30;
	s8 =	sadd.s32 s8, s30;
	s10 =	sshll.u32 s5, $0x10  }
0x10: {  	v0 =	vlaneseq.u32;
	v1 =	vmov s21;
	s21 =	simm.s32 $0x8000;
	s14 =	ssub.s32 s9, s11;
	s9 =	sadd.s32 s31, s2  }
0x11: {  	v3 =	vmul.u32 $0x4, v0;
	s11 =	sadd.s32 $0x1200, s12;
	s12 =	sadd.s32 s10, s3;
	s14 =	smax.u32 s14, $0x1  }
0x12: {  	v2 =	vimm.f32 $0.0e+00;
	s15 =	sadd.s32 $0x4000, s12;
	s16 =	sadd.s32 $0x8000, s12;
	s17 =	sadd.s32 $0xC000, s12  }
.LBB2_1:
0x13: {  	[tilespmem:s4], [sflag:$0x1] =	stream.linear.gather [hbm4b:s7+s4], $0x2000, $0x38;
	[tilespmem:$0x1E080] =	vst v63  }
0x14: {  	_ =	swait.ge [sflag:s18], $0x2000  }
0x15: {  	[sflag:s18] =	ssyncset.done $0x0  }
0x16: {  	[sflag:s18] =	ssyncadd.s32 $0xFFFFE000  }
0x17: {  	[tilespmem:s19], [sflag:$0x1] =	stream.linear.gather [hbm4b:s8+s4], $0x2000, $0x38;
	[tilespmem:$0x1E080] =	vst v63  }
0x18: {  	_ =	swait.ge [sflag:s18], $0x2000  }
0x19: {  	[sflag:s18] =	ssyncset.done $0x0  }
0x1a: {  	s24 =	simm.s32 $0x0;
	[sflag:s18] =	ssyncadd.s32 $0xFFFFE000  }
.LBB2_2:
0x1b: {  	p1 =	sne.s32 s24, $0xFFC0  }
.Ltmp0:
0x1c: {  	_ = 	snop;
	(pc) =	sbr.rel @p1 .LBB2_2-.Ltmp0, $3  }
0x1d: {  	_ =	sdelay $0x1  }
0x1e: {  	s25 =	sshra.s32 s24, $0x2  }
0x1f: {  	s24 =	sadd.s32 $0x40, s24;
	[tilespmem:s25+$0xA000] =	vst v2  }
0x20: {  	s24 =	simm.s32 $0x0  }
0x21: {  	v4 =	vld [tilespmem:s24+$0x0]  }
0x22: {  	s25 =	simm.s32 $0x40;
	v5 =	vld [tilespmem:s24+$0x2000]  }
.LBB2_4:
0x23: {  	p1 =	sne.s32 s25, $0x7FC0  }
.Ltmp1:
0x24: {  	_ = 	snop;
	(pc) =	sbr.rel @p1 .LBB2_4-.Ltmp1, $4  }
0x25: {  	_ = 	snop  }
0x26: {  	s26 =	sshra.s32 s25, $0x2;
	s25 =	sadd.s32 $0x40, s25;
	v6 =	vshll.u32 v4, $0xC  }
0x27: {  	v4 =	vld [tilespmem:s26+$0x0];
	v6 =	vadd.s32 v5, v6  }
0x28: {  	v5 =	vld [tilespmem:s26+$0x2000];
	[tilespmem:s24+$0x4000] =	vst v6;
	s24 =	smov.u32 s26  }
0x29: {  	_ =	sdelay $0x2  }
0x2a: {  	v4 =	vshll.u32 v4, $0xC  }
0x2b: {  	v4 =	vadd.s32 v5, v4  }
0x2c: {  	[tilespmem:s24+$0x4000] =	vst v4  }
0x2d: {  	[spmem:s9] =	stream.linear.scatter [tilespmem:s20], [sflag:$0x1], $0x80, $0x38;
	[tilespmem:$0x1E080] =	vst v63  }
0x2e: {  	_ =	swait.ge [sflag:s18], $0x80  }
0x2f: {  	[sflag:s18] =	ssyncset.done $0x0  }
0x30: {  	[sflag:s18] =	ssyncadd.s32 $0xFFFFFF80  }
0x31: {  	s24 =	simm.s32 $0x0;
	[bflag:$0x0] =	sbarrier.arrive $0xFFFF  }
0x32: {  	v4 =	vld [tilespmem:s24+$0x0];
	_ =	sdelay $0x3  }
0x33: {  	s26 =	simm.s32 $0x40;
	s25 =	smov.u32 s6  }
.LBB2_6:
0x34: {  	s28 =	sshra.s32 s26, $0x2;
	p1 =	sne.s32 s26, $0x7FC0;
	s26 =	sadd.s32 $0x40, s26;
	v5 =	vsub.s32 v4, v1;
	v6 =	vor.u32 s25, v0  }
.Ltmp2:
0x35: {  	v4 =	vld [tilespmem:s28+$0x0];
	vm0 =	vlt.u32 v5, $0x800;
	v6 =	vand.u32 $0x7FF, v6;
	(pc) =	sbr.rel @p1 .LBB2_6-.Ltmp2, $4  }
0x36: {  	v5 =	vsel vm0, v5, v6;
	v6 =	vsel vm0, $0x3F800000, v2  }
0x37: {  	[tilespmem:s24+$0x6000] =	vst v6  }
0x38: {  	[tilespmem:s24+$0x8000] =	vst v5;
	s24 =	smov.u32 s28  }
0x39: {  	s25 =	sadd.s32 $0x10, s25  }
0x3a: {  	v4 =	vsub.s32 v4, v1  }
0x3b: {  	v5 =	vor.u32 s25, v0;
	vm0 =	vlt.u32 v4, $0x800  }
0x3c: {  	v5 =	vand.u32 $0x7FF, v5;
	v6 =	vsel vm0, $0x3F800000, v2  }
0x3d: {  	v4 =	vsel vm0, v4, v5;
	[tilespmem:s24+$0x6000] =	vst v6  }
0x3e: {  	[tilespmem:s24+$0x8000] =	vst v4  }
0x3f: {  	[spmem:s2] =	stream.indirect.scatter.add.f32 [tilespmem:s22], [sflag:$0x1], $0x1, s21, s19, $0xb8;
	[tilespmem:$0x1E080] =	vst v63  }
0x40: {  	_ =	swait.ge [sflag:s18], $0x2000  }
0x41: {  	[sflag:s18] =	ssyncset.done $0x0  }
0x42: {  	[sflag:s18] =	ssyncadd.s32 $0xFFFFE000  }
0x43: {  	s25 =	simm.s32 @!p0 $0x1C01;
	s24 =	sshrl.u32 @!p0 s2, $0x3;
	[bflag:$0x0] =	sbarrier.arrive $0xFFFF  }
0x44: {  	[hbm:s11], [sflag:s25] =	dma.local @!p0 [spmem:s24], $0x100  }
0x45: {  	s24 =	simm.s32 @!p0 $0x1  }
0x46: {  	_ =	swait.ge @!p0 [sflag:s24], $0x100  }
0x47: {  	[sflag:s24] =	ssyncset.done @!p0 $0x0  }
0x48: {  	[sflag:s24] =	ssyncadd.s32 @!p0 $0xFFFFFF00;
	s24 =	simm.s32 $0x0  }
.LBB2_8:
0x49: {  	[spmem:s12] =	stream.linear.scatter [tilespmem:s20], [sflag:$0x1], $0x4000, $0x38;
	[tilespmem:$0x1E080] =	vst v63  }
0x4a: {  	_ =	swait.ge [sflag:s18], $0x4000  }
0x4b: {  	[sflag:s18] =	ssyncset.done $0x0  }
0x4c: {  	[sflag:s18] =	ssyncadd.s32 $0xFFFFC000  }
0x4d: {  	[spmem:s15] =	stream.linear.scatter [tilespmem:s20], [sflag:$0x1], $0x4000, $0x38;
	[tilespmem:$0x1E080] =	vst v63  }
0x4e: {  	_ =	swait.ge [sflag:s18], $0x4000  }
0x4f: {  	[sflag:s18] =	ssyncset.done $0x0  }
0x50: {  	[sflag:s18] =	ssyncadd.s32 $0xFFFFC000  }
0x51: {  	[spmem:s16] =	stream.linear.scatter [tilespmem:s20], [sflag:$0x1], $0x4000, $0x38;
	[tilespmem:$0x1E080] =	vst v63  }
0x52: {  	_ =	swait.ge [sflag:s18], $0x4000  }
0x53: {  	[sflag:s18] =	ssyncset.done $0x0  }
0x54: {  	[sflag:s18] =	ssyncadd.s32 $0xFFFFC000  }
0x55: {  	[spmem:s17] =	stream.linear.scatter [tilespmem:s20], [sflag:$0x1], $0x4000, $0x38;
	[tilespmem:$0x1E080] =	vst v63  }
0x56: {  	_ =	swait.ge [sflag:s18], $0x4000  }
0x57: {  	[sflag:s18] =	ssyncset.done $0x0  }
0x58: {  	[sflag:s18] =	ssyncadd.s32 $0xFFFFC000  }
0x59: {  	s26 =	simm.s32 $0x0;
	[bflag:$0x0] =	sbarrier.arrive $0xFFFF  }
0x5a: {  	v5 =	vld [tilespmem:s26+$0x4000];
	_ =	sdelay $0x1  }
0x5b: {  	s25 =	sshll.u32 s24, $0x14  }
0x5c: {  	v6 =	vmov s6;
	s25 =	sadd.s32 s13, s25  }
0x5d: {  	s28 =	simm.s32 $0x40;
	s29 =	smov.u32 s6;
	v6 =	vshll.u32 v6, $0x2;
	v4 =	vmov s25  }
.LBB2_9:
0x5e: {  	s30 =	sshra.s32 s28, $0x2;
	p1 =	sne.s32 s28, $0x7FC0;
	s28 =	sadd.s32 $0x40, s28;
	v7 =	vsub.s32 v5, v4;
	v6 =	vor.u32 v3, v6  }
.Ltmp3:
0x5f: {  	v5 =	vld [tilespmem:s30+$0x4000];
	vm0 =	vlt.u32 v7, $0x100000;
	v6 =	vand.u32 $0xFFFFC, v6;
	(pc) =	sbr.rel @p1 .LBB2_9-.Ltmp3, $4  }
0x60: {  	v6 =	vsel vm0, v7, v6;
	v7 =	vsel vm0, $0x3F800000, v2  }
0x61: {  	s29 =	sadd.s32 $0x10, s29;
	[tilespmem:s26+$0x6000] =	vst v7  }
0x62: {  	v7 =	vmov s29;
	[tilespmem:s26+$0x8000] =	vst v6;
	s26 =	smov.u32 s30  }
0x63: {  	v6 =	vshll.u32 v7, $0x2  }
0x64: {  	v4 =	vsub.s32 v5, v4  }
0x65: {  	v5 =	vor.u32 v3, v6;
	vm0 =	vlt.u32 v4, $0x100000  }
0x66: {  	v5 =	vand.u32 $0xFFFFC, v5;
	v63 =	vsel vm0, $0x3F800000, v2  }
0x67: {  	v4 =	vsel vm0, v4, v5;
	[tilespmem:s26+$0x6000] =	vst v63  }
0x68: {  	[tilespmem:s26+$0x8000] =	vst v4  }
0x69: {  	[spmem:s3] =	stream.indirect.scatter.add.f32 [tilespmem:s22], [sflag:$0x1], $0x1, s21, s19, $0xb8;
	[tilespmem:$0x1E080] =	vst v63  }
0x6a: {  	s25 =	sor.u32 s10, s25;
	s31 =	sshll.u32 s5, $0x6;
	_ =	swait.ge [sflag:s18], $0x2000  }
0x6b: {  	s28 =	sshrl.u32 s12, $0x3;
	s24 =	sadd.s32 $0x1, s24;
	[sflag:s18] =	ssyncset.done $0x0  }
0x6c: {  	s25 =	sshrl.u32 s25, $0x3;
	p1 =	sne.s32 s24, $0x8;
	[sflag:s18] =	ssyncadd.s32 $0xFFFFE000  }
0x6d: {  	s25 =	sadd.s32 s1, s25;
	s26 =	sor.u32 $0x1C01, s31;
	[bflag:$0x0] =	sbarrier.arrive $0xFFFF  }
0x6e: {  	[hbm:s25], [sflag:s26] =	dma.local [spmem:s28], $0x2000  }
.Ltmp4:
0x6f: {  	_ =	swait.ge [sflag:s18], $0x2000;
	(pc) =	sbr.rel @p1 .LBB2_8-.Ltmp4, $3  }
0x70: {  	[sflag:s18] =	ssyncset.done $0x0  }
0x71: {  	[sflag:s18] =	ssyncadd.s32 $0xFFFFE000  }
0x72: {  	[bflag:$0x0] =	sbarrier.arrive $0xFFFF;
	_ =	sdelay $0x1  }
0x73: {  	s23 =	sadd.s32 $0x1, s23  }
0x74: {  	p1 =	sne.s32 s23, s14  }
.Ltmp5:
0x75: {  	_ = 	snop;
	(pc) =	sbr.rel @p1 .LBB2_1-.Ltmp5, $1  }
0x76: {  	_ =	sdelay $0x3  }
0x77: {  	_ =	sfence.sel $0x180000  }
0x78: {  	[bflag:$0x0] =	sbarrier.arrive $0xFFFF  }
0x79: {  	_ =	strace $0x90000047  }
0x7a: {  	s0 =	sadd.s32 @!p0 $0x100000, s0;
	[bflag:$0x2] =	sbarrier.arrive $0xFFFF  }
0x7b: {  	[sflag:s0] =	ssyncadd.tile.s32 @!p0 $0x1;
	_ =	shalt  }
.Lfunc_end2:
_tile_overlayer_lowered:
.L_overlay_start_2:
0x7c: {  	(tag) =	ssettag $0x2  }
0x7d: {  	s0 =	rddreg [dreg:$0x0];
	s2 =	stileid.u32  }
0x7e: {  	s1 =	rddreg [dreg:$0x1];
	p0 =	sne.s32 s2, $0x0  }
0x7f: {  	s3 =	rddreg [dreg:$0x2];
	[bflag:$0x3] =	sbarrier.arrive $0xFFFF;
	s2 =	simm.s32 @!p0 $0x1C01  }
0x80: {  	[timem:s3], [sflag:s2] =	dma.local @!p0 [hbm:s0], s1  }
0x81: {  	s0 =	simm.s32 @!p0 $0x1  }
0x82: {  	_ =	swait.ge @!p0 [sflag:s0], s1  }
0x83: {  	s1 =	ssub.s32 @!p0 $0x0, s1;
	[sflag:s0] =	ssyncset.done @!p0 $0x0  }
0x84: {  	[sflag:s0] =	ssyncadd.s32 @!p0 s1  }
0x85: {  	[bflag:$0x3] =	sbarrier.arrive $0xFFFF  }
0x86: {  	_ =	shalt  }

</sc_bundles>
